<compile_context>
chip_gen: v7x
topology: tpu7x:2x2x1
jax: 0.10.2.dev20260603
libtpu: 0.0.44.dev20260713+nightly
codegen_flags: <defaults>
</compile_context>

<pallas_src>
import functools

import jax
import jax.numpy as jnp
from jax import lax
from jax.experimental import pallas as pl
from jax.experimental.pallas import tpu as pltpu
from jax.experimental.pallas import tpu_sc as plsc

B = 4096
EMB = 64
L_DIAG = 50
L_DRUG = 20
H1, H2 = 512, 256

_NW = 32
_CHUNK = 128
_NBUF = 4
_NDEMO = 4
_NREP = 32
_DREP = 32
_BB = 512
_NB = B // _BB

_SEGS = (L_DIAG, L_DRUG, _NDEMO)
_K = tuple(s * EMB for s in _SEGS)


def _worker_seg(wid, idx_v, bufs, gsems, wsems):

    def seg(table_hbm, ids_hbm, out_hbm, cpw, idx_base):
        ipw = cpw * _CHUNK
        c0 = wid * cpw
        pltpu.sync_copy(ids_hbm.at[pl.ds(wid * ipw, ipw)],
                        idx_v.at[pl.ds(idx_base, ipw)])

        def src(j):
            return table_hbm.at[
                idx_v.at[pl.ds(idx_base + j * _CHUNK, _CHUNK)]]

        def dst(j):
            return out_hbm.at[pl.ds((c0 + j) * _CHUNK, _CHUNK)]

        ngrp = cpw // _NBUF
        tail = ngrp * _NBUF

        def group(g, _):
            base = g * _NBUF
            for k in range(_NBUF):
                @pl.when(g > 0)
                def _():
                    pltpu.make_async_copy(bufs[k], dst(0), wsems[k]).wait()
                pltpu.async_copy(src(base + k), bufs[k], gsems[k])
            for k in range(_NBUF):
                pltpu.make_async_copy(src(base + k), bufs[k],
                                      gsems[k]).wait()
                pltpu.async_copy(bufs[k], dst(base + k), wsems[k])
            return 0

        lax.fori_loop(0, ngrp, group, 0)
        for k, j in enumerate(range(tail, cpw)):
            @pl.when(ngrp > 0)
            def _():
                pltpu.make_async_copy(bufs[k], dst(0), wsems[k]).wait()
            pltpu.async_copy(src(j), bufs[k], gsems[k]).wait()
            pltpu.async_copy(bufs[k], dst(j), wsems[k])
        for k in range(min(_NBUF, cpw)):
            pltpu.make_async_copy(bufs[k], dst(0), wsems[k]).wait()

    return seg


def _sc_gather_diag(icd, ids_diag):
    mesh = plsc.VectorSubcoreMesh(core_axis_name="c", subcore_axis_name="s")
    cpw = B * L_DIAG // _CHUNK // _NW

    @functools.partial(
        pl.kernel,
        mesh=mesh,
        compiler_params=pltpu.CompilerParams(use_tc_tiling_on_sc=False),
        out_type=jax.ShapeDtypeStruct((B * L_DIAG, EMB), jnp.float32),
        scratch_types=[
            pltpu.VMEM((cpw * _CHUNK,), jnp.int32),
            [pltpu.VMEM((_CHUNK, EMB), jnp.float32)] * _NBUF,
            [pltpu.SemaphoreType.DMA] * _NBUF,
            [pltpu.SemaphoreType.DMA] * _NBUF,
        ],
    )
    def gather_k(icd_hbm, idd_hbm, od_hbm, idx_v, bufs, gsems, wsems):
        wid = lax.axis_index("s") * 2 + lax.axis_index("c")
        seg = _worker_seg(wid, idx_v, bufs, gsems, wsems)
        seg(icd_hbm, idd_hbm, od_hbm, cpw, 0)

    return gather_k(icd, ids_diag)


def _sc_gather_rest(drug, demo, ids_drug, ids_demo):
    mesh = plsc.VectorSubcoreMesh(core_axis_name="c", subcore_axis_name="s")
    cpws = (B * L_DRUG // _CHUNK // _NW, B * _NDEMO // _CHUNK // _NW)

    @functools.partial(
        pl.kernel,
        mesh=mesh,
        compiler_params=pltpu.CompilerParams(use_tc_tiling_on_sc=False),
        out_type=[jax.ShapeDtypeStruct((B * L_DRUG, EMB), jnp.float32),
                  jax.ShapeDtypeStruct((B * _NDEMO, EMB), jnp.float32)],
        scratch_types=[
            pltpu.VMEM((sum(cpws) * _CHUNK,), jnp.int32),
            [pltpu.VMEM((_CHUNK, EMB), jnp.float32)] * _NBUF,
            [pltpu.SemaphoreType.DMA] * _NBUF,
            [pltpu.SemaphoreType.DMA] * _NBUF,
        ],
    )
    def gather_k(drug_hbm, demo_hbm, idr_hbm, idm_hbm,
                 or_hbm, om_hbm, idx_v, bufs, gsems, wsems):
        wid = lax.axis_index("s") * 2 + lax.axis_index("c")
        seg = _worker_seg(wid, idx_v, bufs, gsems, wsems)
        seg(drug_hbm, idr_hbm, or_hbm, cpws[0], 0)
        seg(demo_hbm, idm_hbm, om_hbm, cpws[1], cpws[0] * _CHUNK)

    return gather_k(drug, demo, ids_drug, ids_demo)


def _mlp_body(xd_ref, xi_ref, xr_ref, w1d_ref, w1i_ref, w1r_ref,
              b1_ref, g1_ref, bt1_ref, w2_ref, b2_ref,
              g2_ref, bt2_ref, w3_ref, b3_ref, out_ref,
              h1_ref, s1_ref, s2_ref):
    i = pl.program_id(0)
    h = jnp.dot(xi_ref[...].astype(jnp.bfloat16), w1i_ref[...],
                preferred_element_type=jnp.float32)
    h += jnp.dot(xr_ref[...].astype(jnp.bfloat16), w1r_ref[...],
                 preferred_element_type=jnp.float32)
    h += jnp.dot(xd_ref[...].astype(jnp.bfloat16), w1d_ref[...],
                 preferred_element_type=jnp.float32)
    h = jnp.maximum(h + b1_ref[...], 0.0)
    h1_ref[pl.ds(i * _BB, _BB), :] = h
    colsum = jnp.sum(h, axis=0, keepdims=True)
    colsq = jnp.sum(h * h, axis=0, keepdims=True)

    @pl.when(i == 0)
    def _():
        s1_ref[...] = colsum
        s2_ref[...] = colsq

    @pl.when(i > 0)
    def _():
        s1_ref[...] = s1_ref[...] + colsum
        s2_ref[...] = s2_ref[...] + colsq

    @pl.when(i == _NB - 1)
    def _():
        inv_b = 1.0 / B
        mean = s1_ref[...] * inv_b
        var = s2_ref[...] * inv_b - mean * mean
        scale = g1_ref[...] * lax.rsqrt(var + 1e-5)
        shift = bt1_ref[...] - mean * scale
        h1n = h1_ref[...] * scale + shift
        h2 = jnp.dot(h1n, w2_ref[...], preferred_element_type=jnp.float32)
        h2 = jnp.maximum(h2 + b2_ref[...], 0.0)
        m2 = jnp.sum(h2, axis=0, keepdims=True) * inv_b
        v2 = jnp.sum(h2 * h2, axis=0, keepdims=True) * inv_b - m2 * m2
        sc2 = g2_ref[...] * lax.rsqrt(v2 + 1e-5)
        sh2 = bt2_ref[...] - m2 * sc2
        h2n = h2 * sc2 + sh2
        out_ref[...] = (jnp.sum(h2n * w3_ref[...], axis=1, keepdims=True)
                        + b3_ref[...])


def _mlp(xd, xi, xr, W1d, W1i, W1r, b1, g1, beta1, W2, b2, g2, beta2, W3, b3):
    full = lambda shape: pl.BlockSpec(shape, lambda i: (0, 0))
    return pl.pallas_call(
        _mlp_body,
        grid=(_NB,),
        in_specs=[
            pl.BlockSpec((_BB, _K[2]), lambda i: (i, 0)),
            pl.BlockSpec((_BB, _K[0]), lambda i: (i, 0)),
            pl.BlockSpec((_BB, _K[1]), lambda i: (i, 0)),
            full((_K[2], H1)), full((_K[0], H1)), full((_K[1], H1)),
            full((1, H1)), full((1, H1)), full((1, H1)),
            full((H1, H2)),
            full((1, H2)), full((1, H2)), full((1, H2)),
            full((1, H2)),
            full((1, 1)),
        ],
        out_specs=full((B, 1)),
        out_shape=jax.ShapeDtypeStruct((B, 1), jnp.float32),
        scratch_shapes=[
            pltpu.VMEM((B, H1), jnp.float32),
            pltpu.VMEM((1, H1), jnp.float32),
            pltpu.VMEM((1, H1), jnp.float32),
        ],
    )(xd, xi, xr, W1d, W1i, W1r,
      b1.reshape(1, H1), g1.reshape(1, H1), beta1.reshape(1, H1),
      W2, b2.reshape(1, H2), g2.reshape(1, H2), beta2.reshape(1, H2),
      W3.reshape(1, H2), b3.reshape(1, 1))


def kernel(diag_ids, drug_ids, age_ids, race_ids, gender_ids,
           icd_emb, drug_emb, age_emb, race_emb, gender_emb,
           W1, b1, g1, beta1, W2, b2, g2, beta2, W3, b3):
    demo_rep = jnp.tile(
        jnp.concatenate([age_emb, race_emb, gender_emb,
                         jnp.zeros((1, EMB), jnp.float32)], axis=0),
        (_NREP, 1))
    rep = (jnp.arange(B, dtype=jnp.int32) % _NREP) * _DREP
    ids_demo = jnp.stack(
        [age_ids.astype(jnp.int32) + rep,
         race_ids.astype(jnp.int32) + rep + 20,
         gender_ids.astype(jnp.int32) + rep + 28,
         rep + 31], axis=1).reshape(B * _NDEMO)
    ids_diag = diag_ids.astype(jnp.int32).reshape(B * L_DIAG)
    ids_drug = drug_ids.astype(jnp.int32).reshape(B * L_DRUG)

    xi = _sc_gather_diag(icd_emb, ids_diag)
    xr, xd = _sc_gather_rest(drug_emb, demo_rep, ids_drug, ids_demo)
    xi = xi.reshape(B, _K[0])
    xr = xr.reshape(B, _K[1])
    xd = xd.reshape(B, _K[2])

    w1 = W1.astype(jnp.bfloat16)
    W1d = jnp.concatenate(
        [w1[:3 * EMB], jnp.zeros((EMB, H1), jnp.bfloat16)], axis=0)
    W1i = w1[3 * EMB:(3 + L_DIAG) * EMB]
    W1r = w1[(3 + L_DIAG) * EMB:]
    out = _mlp(xd, xi, xr, W1d, W1i, W1r,
               b1, g1, beta1, W2, b2, g2, beta2, W3, b3)
    return out[:, 0]

# --- scband reference (transcript-rebuilt; emitter-appended) ---
"""Pipeline reference for scband-ae-mlp-57251914055818 (READ-ONLY COPY).

The authoritative reference and input builder live on the scoring server;
editing this copy changes nothing except your own understanding.
"""

import jax, jax.numpy as jnp
import numpy as np

B = 4096
EMB = 64
V_ICD = 20000
V_DRUG = 5000
L_DIAG = 50
L_DRUG = 20
IN_DIM = (3 + L_DIAG + L_DRUG) * EMB  # 4672
H1, H2 = 512, 256


def setup_inputs(seed: int = 0) -> dict:
    key = jax.random.key(seed)
    ks = jax.random.split(key, 20)
    diag_ids = jax.random.randint(ks[0], (B, L_DIAG), 0, V_ICD)
    drug_ids = jax.random.randint(ks[1], (B, L_DRUG), 0, V_DRUG)
    age_ids = jax.random.randint(ks[2], (B,), 0, 20)
    race_ids = jax.random.randint(ks[3], (B,), 0, 8)
    gender_ids = jax.random.randint(ks[4], (B,), 0, 3)
    icd_emb = jax.random.normal(ks[5], (V_ICD, EMB), jnp.float32) * 0.02
    icd_emb = icd_emb.at[0].set(0.0)  # padding_idx=0
    drug_emb = jax.random.normal(ks[6], (V_DRUG, EMB), jnp.float32) * 0.02
    drug_emb = drug_emb.at[0].set(0.0)  # padding_idx=0
    age_emb = jax.random.normal(ks[7], (20, EMB), jnp.float32) * 0.02
    race_emb = jax.random.normal(ks[8], (8, EMB), jnp.float32) * 0.02
    gender_emb = jax.random.normal(ks[9], (3, EMB), jnp.float32) * 0.02
    W1 = jax.random.normal(ks[10], (IN_DIM, H1), jnp.float32) / np.sqrt(IN_DIM)
    b1 = jnp.zeros((H1,), jnp.float32)
    g1 = jnp.ones((H1,), jnp.float32)
    beta1 = jnp.zeros((H1,), jnp.float32)
    W2 = jax.random.normal(ks[11], (H1, H2), jnp.float32) / np.sqrt(H1)
    b2 = jnp.zeros((H2,), jnp.float32)
    g2 = jnp.ones((H2,), jnp.float32)
    beta2 = jnp.zeros((H2,), jnp.float32)
    W3 = jax.random.normal(ks[12], (H2, 1), jnp.float32) / np.sqrt(H2)
    b3 = jnp.zeros((1,), jnp.float32)
    return {
        "diag_ids": diag_ids, "drug_ids": drug_ids, "age_ids": age_ids,
        "race_ids": race_ids, "gender_ids": gender_ids,
        "icd_emb": icd_emb, "drug_emb": drug_emb, "age_emb": age_emb,
        "race_emb": race_emb, "gender_emb": gender_emb,
        "W1": W1, "b1": b1, "g1": g1, "beta1": beta1,
        "W2": W2, "b2": b2, "g2": g2, "beta2": beta2,
        "W3": W3, "b3": b3,
    }


def _batchnorm(h, g, b, eps=1e-5):
    # training-mode BN with biased batch variance (matches torch BN training normalization)
    m = jnp.mean(h, axis=0)
    v = jnp.var(h, axis=0)
    return g * (h - m) / jnp.sqrt(v + eps) + b


def reference(diag_ids, drug_ids, age_ids, race_ids, gender_ids,
              icd_emb, drug_emb, age_emb, race_emb, gender_emb,
              W1, b1, g1, beta1, W2, b2, g2, beta2, W3, b3):
    diag_e = jnp.take(icd_emb, diag_ids, axis=0)      # [B, L_DIAG, D]
    drug_e = jnp.take(drug_emb, drug_ids, axis=0)     # [B, L_DRUG, D]
    age_e = jnp.take(age_emb, age_ids, axis=0)        # [B, D]
    race_e = jnp.take(race_emb, race_ids, axis=0)     # [B, D]
    gender_e = jnp.take(gender_emb, gender_ids, axis=0)  # [B, D]
    demo = jnp.stack([age_e, race_e, gender_e], axis=1)   # [B, 3, D]
    seq = jnp.concatenate([demo, diag_e, drug_e], axis=1)  # [B, 73, D]
    x = seq.reshape(seq.shape[0], -1)                  # [B, IN_DIM]
    h = jnp.maximum(x @ W1 + b1, 0.0)
    h = _batchnorm(h, g1, beta1)
    # dropout is identity at inference
    h = jnp.maximum(h @ W2 + b2, 0.0)
    h = _batchnorm(h, g2, beta2)
    logits = (h @ W3 + b3).squeeze(-1)                 # [B]
    return logits

if __name__ == "__main__":
    import jax
    _d = setup_inputs()
    print(jax.jit(kernel)(*tuple(_d.values())))

</pallas_src>

<mosaic_0001>
#map = affine_map<(d0, d1) -> (0, 0)>
#map1 = affine_map<(d0, d1) -> (0)>
module attributes {stable_mosaic.version = 14 : i64} {
  func.func @gather_k(%arg0: i32, %arg1: i32, %arg2: memref<5000x64xf32, #tpu.memory_space<hbm>>, %arg3: memref<1024x64xf32, #tpu.memory_space<hbm>>, %arg4: memref<81920xi32, #tpu.memory_space<hbm>>, %arg5: memref<16384xi32, #tpu.memory_space<hbm>>, %arg6: memref<81920x64xf32, #tpu.memory_space<hbm>>, %arg7: memref<16384x64xf32, #tpu.memory_space<hbm>>, %arg8: memref<3072xi32, #tpu.memory_space<vmem>>, %arg9: memref<128x64xf32, #tpu.memory_space<vmem>>, %arg10: memref<128x64xf32, #tpu.memory_space<vmem>>, %arg11: memref<128x64xf32, #tpu.memory_space<vmem>>, %arg12: memref<128x64xf32, #tpu.memory_space<vmem>>, %arg13: memref<!tpu.dma_semaphore, #tpu.memory_space<semaphore_mem>>, %arg14: memref<!tpu.dma_semaphore, #tpu.memory_space<semaphore_mem>>, %arg15: memref<!tpu.dma_semaphore, #tpu.memory_space<semaphore_mem>>, %arg16: memref<!tpu.dma_semaphore, #tpu.memory_space<semaphore_mem>>, %arg17: memref<!tpu.dma_semaphore, #tpu.memory_space<semaphore_mem>>, %arg18: memref<!tpu.dma_semaphore, #tpu.memory_space<semaphore_mem>>, %arg19: memref<!tpu.dma_semaphore, #tpu.memory_space<semaphore_mem>>, %arg20: memref<!tpu.dma_semaphore, #tpu.memory_space<semaphore_mem>>) attributes {dimension_semantics = [#tpu.dimension_semantics<core_parallel>, #tpu.dimension_semantics<subcore_parallel>], iteration_bounds = array<i64: 2, 16>, scalar_prefetch = 0 : i64, scratch_operands = 13 : i64, tpu.core_type = #tpu.core_type<sc_vector_subcore>, window_params = [{transform_indices = #map}, {transform_indices = #map}, {transform_indices = #map1}, {transform_indices = #map1}, {transform_indices = #map}, {transform_indices = #map}]} {
    %mul3A = arith.constant 2 : i32
    %mul3A_0 = arith.muli %arg1, %mul3A : i32
    %add3A = arith.addi %mul3A_0, %arg0 : i32
    %mul3A_1 = arith.constant 20 : i32
    %mul3A_2 = arith.muli %add3A, %mul3A_1 : i32
    %mul3A_3 = arith.constant 2560 : i32
    %mul3A_4 = arith.muli %add3A, %mul3A_3 : i32
    "tpu.region"() ({
      %run_scoped3A = tpu.sem_alloc : memref<!tpu.dma_semaphore, #tpu.memory_space<semaphore_mem>>
      %dma_start3A_216 = arith.constant 0 : i32
      %dma_start3A_217 = tpu.memref_slice %arg8[%dma_start3A_216] : memref<3072xi32, #tpu.memory_space<vmem>> -> memref<2560xi32, #tpu.memory_space<vmem>>
      %dma_start3A_218 = tpu.memref_slice %arg4[%mul3A_4] : memref<81920xi32, #tpu.memory_space<hbm>> -> memref<2560xi32, #tpu.memory_space<hbm>>
      %dma_start3A_219 = arith.constant 0 : i32
      %dma_start3A_220 = tpu.memref_slice %arg8[%dma_start3A_219] : memref<3072xi32, #tpu.memory_space<vmem>> -> memref<2560xi32, #tpu.memory_space<vmem>>
      %dma_start3A_221 = tpu.memref_slice %arg4[%mul3A_4] : memref<81920xi32, #tpu.memory_space<hbm>> -> memref<2560xi32, #tpu.memory_space<hbm>>
      tpu.enqueue_dma source(%dma_start3A_221 : memref<2560xi32, #tpu.memory_space<hbm>>) target(%dma_start3A_220 : memref<2560xi32, #tpu.memory_space<vmem>>) target_semaphore(%run_scoped3A : memref<!tpu.dma_semaphore, #tpu.memory_space<semaphore_mem>>)
      %dma_wait3A_222 = arith.constant 0 : i32
      %dma_wait3A_223 = tpu.memref_slice %arg8[%dma_wait3A_222] : memref<3072xi32, #tpu.memory_space<vmem>> -> memref<2560xi32, #tpu.memory_space<vmem>>
      %dma_wait3A_224 = tpu.memref_slice %arg4[%mul3A_4] : memref<81920xi32, #tpu.memory_space<hbm>> -> memref<2560xi32, #tpu.memory_space<hbm>>
      %dma_wait3A_225 = arith.constant 0 : i32
      %dma_wait3A_226 = tpu.memref_slice %arg8[%dma_wait3A_225] : memref<3072xi32, #tpu.memory_space<vmem>> -> memref<2560xi32, #tpu.memory_space<vmem>>
      %dma_wait3A_227 = tpu.memref_slice %arg4[%mul3A_4] : memref<81920xi32, #tpu.memory_space<hbm>> -> memref<2560xi32, #tpu.memory_space<hbm>>
      tpu.wait_dma2 semaphore(%run_scoped3A : memref<!tpu.dma_semaphore, #tpu.memory_space<semaphore_mem>>) src(%dma_wait3A_227 : memref<2560xi32, #tpu.memory_space<hbm>>) dst(%dma_wait3A_226 : memref<2560xi32, #tpu.memory_space<vmem>>)
      tpu.yield
    }) : () -> ()
    %scan3A = arith.constant 0 : i32
    %scan3A_5 = arith.constant 0 : i32
    %scan3A_6 = arith.constant 5 : i32
    %scan3A_7 = arith.addi %scan3A_5, %scan3A_6 : i32
    %scan3A_8 = arith.constant 1 : i32
    %scan3A_9 = scf.for %scan3A_216 = %scan3A_5 to %scan3A_7 step %scan3A_8 iter_args(%scan3A_217 = %scan3A) -> (i32)  : i32 {
      %mul3A_218 = arith.constant 4 : i32
      %mul3A_219 = arith.muli %scan3A_216, %mul3A_218 : i32
      %gt3A_220 = arith.constant 0 : i32
      %gt3A_221 = arith.cmpi sgt, %scan3A_216, %gt3A_220 : i32
      %convert_element_type3A_222 = arith.extui %gt3A_221 : i1 to i32
      %cond3A_223 = arith.constant 0 : i32
      %cond3A_224 = arith.cmpi ne, %convert_element_type3A_222, %cond3A_223 : i32
      scf.if %cond3A_224 {
        %add3A_357 = arith.constant 0 : i32
        %add3A_358 = arith.addi %mul3A_2, %add3A_357 : i32
        %mul3A_359 = arith.constant 128 : i32
        %mul3A_360 = arith.muli %add3A_358, %mul3A_359 : i32
        %dma_wait3A_361 = arith.constant 0 : i32
        %dma_wait3A_362 = tpu.memref_slice %arg6[%mul3A_360, %dma_wait3A_361] : memref<81920x64xf32, #tpu.memory_space<hbm>> -> memref<128x64xf32, #tpu.memory_space<hbm>>
        %dma_wait3A_363 = arith.constant 0 : i32
        %dma_wait3A_364 = tpu.memref_slice %arg6[%mul3A_360, %dma_wait3A_363] : memref<81920x64xf32, #tpu.memory_space<hbm>> -> memref<128x64xf32, #tpu.memory_space<hbm>>
        tpu.wait_dma2 semaphore(%arg17 : memref<!tpu.dma_semaphore, #tpu.memory_space<semaphore_mem>>) src(%arg9 : memref<128x64xf32, #tpu.memory_space<vmem>>) dst(%dma_wait3A_364 : memref<128x64xf32, #tpu.memory_space<hbm>>)
      } else {
      }
      %add3A_225 = arith.constant 0 : i32
      %add3A_226 = arith.addi %mul3A_219, %add3A_225 : i32
      %mul3A_227 = arith.constant 128 : i32
      %mul3A_228 = arith.muli %add3A_226, %mul3A_227 : i32
      %add3A_229 = arith.constant 0 : i32
      %add3A_230 = arith.addi %add3A_229, %mul3A_228 : i32
      %dma_start3A_231 = tpu.memref_slice %arg8[%add3A_230] : memref<3072xi32, #tpu.memory_space<vmem>> -> memref<128xi32, #tpu.memory_space<vmem>>
      %dma_start3A_232 = arith.constant 0 : i32
      %dma_start3A_233 = arith.constant 0 : i32
      %dma_start3A_234 = tpu.memref_slice %arg2[%dma_start3A_232, %dma_start3A_233] : memref<5000x64xf32, #tpu.memory_space<hbm>> -> memref<5000x64xf32, #tpu.memory_space<hbm>>
      tpu.enqueue_indirect_dma source(%dma_start3A_234 : memref<5000x64xf32, #tpu.memory_space<hbm>>) target(%arg9 : memref<128x64xf32, #tpu.memory_space<vmem>>) offsets(%dma_start3A_231 : memref<128xi32, #tpu.memory_space<vmem>>) semaphore(%arg13 : memref<!tpu.dma_semaphore, #tpu.memory_space<semaphore_mem>>)
      %gt3A_235 = arith.constant 0 : i32
      %gt3A_236 = arith.cmpi sgt, %scan3A_216, %gt3A_235 : i32
      %convert_element_type3A_237 = arith.extui %gt3A_236 : i1 to i32
      %cond3A_238 = arith.constant 0 : i32
      %cond3A_239 = arith.cmpi ne, %convert_element_type3A_237, %cond3A_238 : i32
      scf.if %cond3A_239 {
        %add3A_357 = arith.constant 0 : i32
        %add3A_358 = arith.addi %mul3A_2, %add3A_357 : i32
        %mul3A_359 = arith.constant 128 : i32
        %mul3A_360 = arith.muli %add3A_358, %mul3A_359 : i32
        %dma_wait3A_361 = arith.constant 0 : i32
        %dma_wait3A_362 = tpu.memref_slice %arg6[%mul3A_360, %dma_wait3A_361] : memref<81920x64xf32, #tpu.memory_space<hbm>> -> memref<128x64xf32, #tpu.memory_space<hbm>>
        %dma_wait3A_363 = arith.constant 0 : i32
        %dma_wait3A_364 = tpu.memref_slice %arg6[%mul3A_360, %dma_wait3A_363] : memref<81920x64xf32, #tpu.memory_space<hbm>> -> memref<128x64xf32, #tpu.memory_space<hbm>>
        tpu.wait_dma2 semaphore(%arg18 : memref<!tpu.dma_semaphore, #tpu.memory_space<semaphore_mem>>) src(%arg10 : memref<128x64xf32, #tpu.memory_space<vmem>>) dst(%dma_wait3A_364 : memref<128x64xf32, #tpu.memory_space<hbm>>)
      } else {
      }
      %add3A_240 = arith.constant 1 : i32
      %add3A_241 = arith.addi %mul3A_219, %add3A_240 : i32
      %mul3A_242 = arith.constant 128 : i32
      %mul3A_243 = arith.muli %add3A_241, %mul3A_242 : i32
      %add3A_244 = arith.constant 0 : i32
      %add3A_245 = arith.addi %add3A_244, %mul3A_243 : i32
      %dma_start3A_246 = tpu.memref_slice %arg8[%add3A_245] : memref<3072xi32, #tpu.memory_space<vmem>> -> memref<128xi32, #tpu.memory_space<vmem>>
      %dma_start3A_247 = arith.constant 0 : i32
      %dma_start3A_248 = arith.constant 0 : i32
      %dma_start3A_249 = tpu.memref_slice %arg2[%dma_start3A_247, %dma_start3A_248] : memref<5000x64xf32, #tpu.memory_space<hbm>> -> memref<5000x64xf32, #tpu.memory_space<hbm>>
      tpu.enqueue_indirect_dma source(%dma_start3A_249 : memref<5000x64xf32, #tpu.memory_space<hbm>>) target(%arg10 : memref<128x64xf32, #tpu.memory_space<vmem>>) offsets(%dma_start3A_246 : memref<128xi32, #tpu.memory_space<vmem>>) semaphore(%arg14 : memref<!tpu.dma_semaphore, #tpu.memory_space<semaphore_mem>>)
      %gt3A_250 = arith.constant 0 : i32
      %gt3A_251 = arith.cmpi sgt, %scan3A_216, %gt3A_250 : i32
      %convert_element_type3A_252 = arith.extui %gt3A_251 : i1 to i32
      %cond3A_253 = arith.constant 0 : i32
      %cond3A_254 = arith.cmpi ne, %convert_element_type3A_252, %cond3A_253 : i32
      scf.if %cond3A_254 {
        %add3A_357 = arith.constant 0 : i32
        %add3A_358 = arith.addi %mul3A_2, %add3A_357 : i32
        %mul3A_359 = arith.constant 128 : i32
        %mul3A_360 = arith.muli %add3A_358, %mul3A_359 : i32
        %dma_wait3A_361 = arith.constant 0 : i32
        %dma_wait3A_362 = tpu.memref_slice %arg6[%mul3A_360, %dma_wait3A_361] : memref<81920x64xf32, #tpu.memory_space<hbm>> -> memref<128x64xf32, #tpu.memory_space<hbm>>
        %dma_wait3A_363 = arith.constant 0 : i32
        %dma_wait3A_364 = tpu.memref_slice %arg6[%mul3A_360, %dma_wait3A_363] : memref<81920x64xf32, #tpu.memory_space<hbm>> -> memref<128x64xf32, #tpu.memory_space<hbm>>
        tpu.wait_dma2 semaphore(%arg19 : memref<!tpu.dma_semaphore, #tpu.memory_space<semaphore_mem>>) src(%arg11 : memref<128x64xf32, #tpu.memory_space<vmem>>) dst(%dma_wait3A_364 : memref<128x64xf32, #tpu.memory_space<hbm>>)
      } else {
      }
      %add3A_255 = arith.constant 2 : i32
      %add3A_256 = arith.addi %mul3A_219, %add3A_255 : i32
      %mul3A_257 = arith.constant 128 : i32
      %mul3A_258 = arith.muli %add3A_256, %mul3A_257 : i32
      %add3A_259 = arith.constant 0 : i32
      %add3A_260 = arith.addi %add3A_259, %mul3A_258 : i32
      %dma_start3A_261 = tpu.memref_slice %arg8[%add3A_260] : memref<3072xi32, #tpu.memory_space<vmem>> -> memref<128xi32, #tpu.memory_space<vmem>>
      %dma_start3A_262 = arith.constant 0 : i32
      %dma_start3A_263 = arith.constant 0 : i32
      %dma_start3A_264 = tpu.memref_slice %arg2[%dma_start3A_262, %dma_start3A_263] : memref<5000x64xf32, #tpu.memory_space<hbm>> -> memref<5000x64xf32, #tpu.memory_space<hbm>>
      tpu.enqueue_indirect_dma source(%dma_start3A_264 : memref<5000x64xf32, #tpu.memory_space<hbm>>) target(%arg11 : memref<128x64xf32, #tpu.memory_space<vmem>>) offsets(%dma_start3A_261 : memref<128xi32, #tpu.memory_space<vmem>>) semaphore(%arg15 : memref<!tpu.dma_semaphore, #tpu.memory_space<semaphore_mem>>)
      %gt3A_265 = arith.constant 0 : i32
      %gt3A_266 = arith.cmpi sgt, %scan3A_216, %gt3A_265 : i32
      %convert_element_type3A_267 = arith.extui %gt3A_266 : i1 to i32
      %cond3A_268 = arith.constant 0 : i32
      %cond3A_269 = arith.cmpi ne, %convert_element_type3A_267, %cond3A_268 : i32
      scf.if %cond3A_269 {
        %add3A_357 = arith.constant 0 : i32
        %add3A_358 = arith.addi %mul3A_2, %add3A_357 : i32
        %mul3A_359 = arith.constant 128 : i32
        %mul3A_360 = arith.muli %add3A_358, %mul3A_359 : i32
        %dma_wait3A_361 = arith.constant 0 : i32
        %dma_wait3A_362 = tpu.memref_slice %arg6[%mul3A_360, %dma_wait3A_361] : memref<81920x64xf32, #tpu.memory_space<hbm>> -> memref<128x64xf32, #tpu.memory_space<hbm>>
        %dma_wait3A_363 = arith.constant 0 : i32
        %dma_wait3A_364 = tpu.memref_slice %arg6[%mul3A_360, %dma_wait3A_363] : memref<81920x64xf32, #tpu.memory_space<hbm>> -> memref<128x64xf32, #tpu.memory_space<hbm>>
        tpu.wait_dma2 semaphore(%arg20 : memref<!tpu.dma_semaphore, #tpu.memory_space<semaphore_mem>>) src(%arg12 : memref<128x64xf32, #tpu.memory_space<vmem>>) dst(%dma_wait3A_364 : memref<128x64xf32, #tpu.memory_space<hbm>>)
      } else {
      }
      %add3A_270 = arith.constant 3 : i32
      %add3A_271 = arith.addi %mul3A_219, %add3A_270 : i32
      %mul3A_272 = arith.constant 128 : i32
      %mul3A_273 = arith.muli %add3A_271, %mul3A_272 : i32
      %add3A_274 = arith.constant 0 : i32
      %add3A_275 = arith.addi %add3A_274, %mul3A_273 : i32
      %dma_start3A_276 = tpu.memref_slice %arg8[%add3A_275] : memref<3072xi32, #tpu.memory_space<vmem>> -> memref<128xi32, #tpu.memory_space<vmem>>
      %dma_start3A_277 = arith.constant 0 : i32
      %dma_start3A_278 = arith.constant 0 : i32
      %dma_start3A_279 = tpu.memref_slice %arg2[%dma_start3A_277, %dma_start3A_278] : memref<5000x64xf32, #tpu.memory_space<hbm>> -> memref<5000x64xf32, #tpu.memory_space<hbm>>
      tpu.enqueue_indirect_dma source(%dma_start3A_279 : memref<5000x64xf32, #tpu.memory_space<hbm>>) target(%arg12 : memref<128x64xf32, #tpu.memory_space<vmem>>) offsets(%dma_start3A_276 : memref<128xi32, #tpu.memory_space<vmem>>) semaphore(%arg16 : memref<!tpu.dma_semaphore, #tpu.memory_space<semaphore_mem>>)
      %add3A_280 = arith.constant 0 : i32
      %add3A_281 = arith.addi %mul3A_219, %add3A_280 : i32
      %mul3A_282 = arith.constant 128 : i32
      %mul3A_283 = arith.muli %add3A_281, %mul3A_282 : i32
      %add3A_284 = arith.constant 0 : i32
      %add3A_285 = arith.addi %add3A_284, %mul3A_283 : i32
      %dma_wait3A_286 = tpu.memref_slice %arg8[%add3A_285] : memref<3072xi32, #tpu.memory_space<vmem>> -> memref<128xi32, #tpu.memory_space<vmem>>
      %dma_wait3A_287 = arith.constant 0 : i32
      %dma_wait3A_288 = arith.constant 0 : i32
      %dma_wait3A_289 = tpu.memref_slice %arg2[%dma_wait3A_287, %dma_wait3A_288] : memref<5000x64xf32, #tpu.memory_space<hbm>> -> memref<5000x64xf32, #tpu.memory_space<hbm>>
      tpu.wait_indirect_dma semaphore(%arg13 : memref<!tpu.dma_semaphore, #tpu.memory_space<semaphore_mem>>) src(%dma_wait3A_289 : memref<5000x64xf32, #tpu.memory_space<hbm>>) dst(%arg9 : memref<128x64xf32, #tpu.memory_space<vmem>>)
      %add3A_290 = arith.constant 0 : i32
      %add3A_291 = arith.addi %mul3A_219, %add3A_290 : i32
      %add3A_292 = arith.addi %mul3A_2, %add3A_291 : i32
      %mul3A_293 = arith.constant 128 : i32
      %mul3A_294 = arith.muli %add3A_292, %mul3A_293 : i32
      %dma_start3A_295 = arith.constant 0 : i32
      %dma_start3A_296 = tpu.memref_slice %arg6[%mul3A_294, %dma_start3A_295] : memref<81920x64xf32, #tpu.memory_space<hbm>> -> memref<128x64xf32, #tpu.memory_space<hbm>>
      %dma_start3A_297 = arith.constant 0 : i32
      %dma_start3A_298 = tpu.memref_slice %arg6[%mul3A_294, %dma_start3A_297] : memref<81920x64xf32, #tpu.memory_space<hbm>> -> memref<128x64xf32, #tpu.memory_space<hbm>>
      tpu.enqueue_dma source(%arg9 : memref<128x64xf32, #tpu.memory_space<vmem>>) target(%dma_start3A_298 : memref<128x64xf32, #tpu.memory_space<hbm>>) target_semaphore(%arg17 : memref<!tpu.dma_semaphore, #tpu.memory_space<semaphore_mem>>)
      %add3A_299 = arith.constant 1 : i32
      %add3A_300 = arith.addi %mul3A_219, %add3A_299 : i32
      %mul3A_301 = arith.constant 128 : i32
      %mul3A_302 = arith.muli %add3A_300, %mul3A_301 : i32
      %add3A_303 = arith.constant 0 : i32
      %add3A_304 = arith.addi %add3A_303, %mul3A_302 : i32
      %dma_wait3A_305 = tpu.memref_slice %arg8[%add3A_304] : memref<3072xi32, #tpu.memory_space<vmem>> -> memref<128xi32, #tpu.memory_space<vmem>>
      %dma_wait3A_306 = arith.constant 0 : i32
      %dma_wait3A_307 = arith.constant 0 : i32
      %dma_wait3A_308 = tpu.memref_slice %arg2[%dma_wait3A_306, %dma_wait3A_307] : memref<5000x64xf32, #tpu.memory_space<hbm>> -> memref<5000x64xf32, #tpu.memory_space<hbm>>
      tpu.wait_indirect_dma semaphore(%arg14 : memref<!tpu.dma_semaphore, #tpu.memory_space<semaphore_mem>>) src(%dma_wait3A_308 : memref<5000x64xf32, #tpu.memory_space<hbm>>) dst(%arg10 : memref<128x64xf32, #tpu.memory_space<vmem>>)
      %add3A_309 = arith.constant 1 : i32
      %add3A_310 = arith.addi %mul3A_219, %add3A_309 : i32
      %add3A_311 = arith.addi %mul3A_2, %add3A_310 : i32
      %mul3A_312 = arith.constant 128 : i32
      %mul3A_313 = arith.muli %add3A_311, %mul3A_312 : i32
      %dma_start3A_314 = arith.constant 0 : i32
      %dma_start3A_315 = tpu.memref_slice %arg6[%mul3A_313, %dma_start3A_314] : memref<81920x64xf32, #tpu.memory_space<hbm>> -> memref<128x64xf32, #tpu.memory_space<hbm>>
      %dma_start3A_316 = arith.constant 0 : i32
      %dma_start3A_317 = tpu.memref_slice %arg6[%mul3A_313, %dma_start3A_316] : memref<81920x64xf32, #tpu.memory_space<hbm>> -> memref<128x64xf32, #tpu.memory_space<hbm>>
      tpu.enqueue_dma source(%arg10 : memref<128x64xf32, #tpu.memory_space<vmem>>) target(%dma_start3A_317 : memref<128x64xf32, #tpu.memory_space<hbm>>) target_semaphore(%arg18 : memref<!tpu.dma_semaphore, #tpu.memory_space<semaphore_mem>>)
      %add3A_318 = arith.constant 2 : i32
      %add3A_319 = arith.addi %mul3A_219, %add3A_318 : i32
      %mul3A_320 = arith.constant 128 : i32
      %mul3A_321 = arith.muli %add3A_319, %mul3A_320 : i32
      %add3A_322 = arith.constant 0 : i32
      %add3A_323 = arith.addi %add3A_322, %mul3A_321 : i32
      %dma_wait3A_324 = tpu.memref_slice %arg8[%add3A_323] : memref<3072xi32, #tpu.memory_space<vmem>> -> memref<128xi32, #tpu.memory_space<vmem>>
      %dma_wait3A_325 = arith.constant 0 : i32
      %dma_wait3A_326 = arith.constant 0 : i32
      %dma_wait3A_327 = tpu.memref_slice %arg2[%dma_wait3A_325, %dma_wait3A_326] : memref<5000x64xf32, #tpu.memory_space<hbm>> -> memref<5000x64xf32, #tpu.memory_space<hbm>>
      tpu.wait_indirect_dma semaphore(%arg15 : memref<!tpu.dma_semaphore, #tpu.memory_space<semaphore_mem>>) src(%dma_wait3A_327 : memref<5000x64xf32, #tpu.memory_space<hbm>>) dst(%arg11 : memref<128x64xf32, #tpu.memory_space<vmem>>)
      %add3A_328 = arith.constant 2 : i32
      %add3A_329 = arith.addi %mul3A_219, %add3A_328 : i32
      %add3A_330 = arith.addi %mul3A_2, %add3A_329 : i32
      %mul3A_331 = arith.constant 128 : i32
      %mul3A_332 = arith.muli %add3A_330, %mul3A_331 : i32
      %dma_start3A_333 = arith.constant 0 : i32
      %dma_start3A_334 = tpu.memref_slice %arg6[%mul3A_332, %dma_start3A_333] : memref<81920x64xf32, #tpu.memory_space<hbm>> -> memref<128x64xf32, #tpu.memory_space<hbm>>
      %dma_start3A_335 = arith.constant 0 : i32
      %dma_start3A_336 = tpu.memref_slice %arg6[%mul3A_332, %dma_start3A_335] : memref<81920x64xf32, #tpu.memory_space<hbm>> -> memref<128x64xf32, #tpu.memory_space<hbm>>
      tpu.enqueue_dma source(%arg11 : memref<128x64xf32, #tpu.memory_space<vmem>>) target(%dma_start3A_336 : memref<128x64xf32, #tpu.memory_space<hbm>>) target_semaphore(%arg19 : memref<!tpu.dma_semaphore, #tpu.memory_space<semaphore_mem>>)
      %add3A_337 = arith.constant 3 : i32
      %add3A_338 = arith.addi %mul3A_219, %add3A_337 : i32
      %mul3A_339 = arith.constant 128 : i32
      %mul3A_340 = arith.muli %add3A_338, %mul3A_339 : i32
      %add3A_341 = arith.constant 0 : i32
      %add3A_342 = arith.addi %add3A_341, %mul3A_340 : i32
      %dma_wait3A_343 = tpu.memref_slice %arg8[%add3A_342] : memref<3072xi32, #tpu.memory_space<vmem>> -> memref<128xi32, #tpu.memory_space<vmem>>
      %dma_wait3A_344 = arith.constant 0 : i32
      %dma_wait3A_345 = arith.constant 0 : i32
      %dma_wait3A_346 = tpu.memref_slice %arg2[%dma_wait3A_344, %dma_wait3A_345] : memref<5000x64xf32, #tpu.memory_space<hbm>> -> memref<5000x64xf32, #tpu.memory_space<hbm>>
      tpu.wait_indirect_dma semaphore(%arg16 : memref<!tpu.dma_semaphore, #tpu.memory_space<semaphore_mem>>) src(%dma_wait3A_346 : memref<5000x64xf32, #tpu.memory_space<hbm>>) dst(%arg12 : memref<128x64xf32, #tpu.memory_space<vmem>>)
      %add3A_347 = arith.constant 3 : i32
      %add3A_348 = arith.addi %mul3A_219, %add3A_347 : i32
      %add3A_349 = arith.addi %mul3A_2, %add3A_348 : i32
      %mul3A_350 = arith.constant 128 : i32
      %mul3A_351 = arith.muli %add3A_349, %mul3A_350 : i32
      %dma_start3A_352 = arith.constant 0 : i32
      %dma_start3A_353 = tpu.memref_slice %arg6[%mul3A_351, %dma_start3A_352] : memref<81920x64xf32, #tpu.memory_space<hbm>> -> memref<128x64xf32, #tpu.memory_space<hbm>>
      %dma_start3A_354 = arith.constant 0 : i32
      %dma_start3A_355 = tpu.memref_slice %arg6[%mul3A_351, %dma_start3A_354] : memref<81920x64xf32, #tpu.memory_space<hbm>> -> memref<128x64xf32, #tpu.memory_space<hbm>>
      tpu.enqueue_dma source(%arg12 : memref<128x64xf32, #tpu.memory_space<vmem>>) target(%dma_start3A_355 : memref<128x64xf32, #tpu.memory_space<hbm>>) target_semaphore(%arg20 : memref<!tpu.dma_semaphore, #tpu.memory_space<semaphore_mem>>)
      %scan3A_356 = arith.constant 0 : i32
      scf.yield %scan3A_356 : i32
    }
    %scan3A_10 = arith.constant 5 : i32
    %add3A_11 = arith.constant 0 : i32
    %add3A_12 = arith.addi %mul3A_2, %add3A_11 : i32
    %mul3A_13 = arith.constant 128 : i32
    %mul3A_14 = arith.muli %add3A_12, %mul3A_13 : i32
    %dma_wait3A = arith.constant 0 : i32
    %dma_wait3A_15 = tpu.memref_slice %arg6[%mul3A_14, %dma_wait3A] : memref<81920x64xf32, #tpu.memory_space<hbm>> -> memref<128x64xf32, #tpu.memory_space<hbm>>
    %dma_wait3A_16 = arith.constant 0 : i32
    %dma_wait3A_17 = tpu.memref_slice %arg6[%mul3A_14, %dma_wait3A_16] : memref<81920x64xf32, #tpu.memory_space<hbm>> -> memref<128x64xf32, #tpu.memory_space<hbm>>
    tpu.wait_dma2 semaphore(%arg17 : memref<!tpu.dma_semaphore, #tpu.memory_space<semaphore_mem>>) src(%arg9 : memref<128x64xf32, #tpu.memory_space<vmem>>) dst(%dma_wait3A_17 : memref<128x64xf32, #tpu.memory_space<hbm>>)
    %add3A_18 = arith.constant 0 : i32
    %add3A_19 = arith.addi %mul3A_2, %add3A_18 : i32
    %mul3A_20 = arith.constant 128 : i32
    %mul3A_21 = arith.muli %add3A_19, %mul3A_20 : i32
    %dma_wait3A_22 = arith.constant 0 : i32
    %dma_wait3A_23 = tpu.memref_slice %arg6[%mul3A_21, %dma_wait3A_22] : memref<81920x64xf32, #tpu.memory_space<hbm>> -> memref<128x64xf32, #tpu.memory_space<hbm>>
    %dma_wait3A_24 = arith.constant 0 : i32
    %dma_wait3A_25 = tpu.memref_slice %arg6[%mul3A_21, %dma_wait3A_24] : memref<81920x64xf32, #tpu.memory_space<hbm>> -> memref<128x64xf32, #tpu.memory_space<hbm>>
    tpu.wait_dma2 semaphore(%arg18 : memref<!tpu.dma_semaphore, #tpu.memory_space<semaphore_mem>>) src(%arg10 : memref<128x64xf32, #tpu.memory_space<vmem>>) dst(%dma_wait3A_25 : memref<128x64xf32, #tpu.memory_space<hbm>>)
    %add3A_26 = arith.constant 0 : i32
    %add3A_27 = arith.addi %mul3A_2, %add3A_26 : i32
    %mul3A_28 = arith.constant 128 : i32
    %mul3A_29 = arith.muli %add3A_27, %mul3A_28 : i32
    %dma_wait3A_30 = arith.constant 0 : i32
    %dma_wait3A_31 = tpu.memref_slice %arg6[%mul3A_29, %dma_wait3A_30] : memref<81920x64xf32, #tpu.memory_space<hbm>> -> memref<128x64xf32, #tpu.memory_space<hbm>>
    %dma_wait3A_32 = arith.constant 0 : i32
    %dma_wait3A_33 = tpu.memref_slice %arg6[%mul3A_29, %dma_wait3A_32] : memref<81920x64xf32, #tpu.memory_space<hbm>> -> memref<128x64xf32, #tpu.memory_space<hbm>>
    tpu.wait_dma2 semaphore(%arg19 : memref<!tpu.dma_semaphore, #tpu.memory_space<semaphore_mem>>) src(%arg11 : memref<128x64xf32, #tpu.memory_space<vmem>>) dst(%dma_wait3A_33 : memref<128x64xf32, #tpu.memory_space<hbm>>)
    %add3A_34 = arith.constant 0 : i32
    %add3A_35 = arith.addi %mul3A_2, %add3A_34 : i32
    %mul3A_36 = arith.constant 128 : i32
    %mul3A_37 = arith.muli %add3A_35, %mul3A_36 : i32
    %dma_wait3A_38 = arith.constant 0 : i32
    %dma_wait3A_39 = tpu.memref_slice %arg6[%mul3A_37, %dma_wait3A_38] : memref<81920x64xf32, #tpu.memory_space<hbm>> -> memref<128x64xf32, #tpu.memory_space<hbm>>
    %dma_wait3A_40 = arith.constant 0 : i32
    %dma_wait3A_41 = tpu.memref_slice %arg6[%mul3A_37, %dma_wait3A_40] : memref<81920x64xf32, #tpu.memory_space<hbm>> -> memref<128x64xf32, #tpu.memory_space<hbm>>
    tpu.wait_dma2 semaphore(%arg20 : memref<!tpu.dma_semaphore, #tpu.memory_space<semaphore_mem>>) src(%arg12 : memref<128x64xf32, #tpu.memory_space<vmem>>) dst(%dma_wait3A_41 : memref<128x64xf32, #tpu.memory_space<hbm>>)
    %mul3A_42 = arith.constant 4 : i32
    %mul3A_43 = arith.muli %add3A, %mul3A_42 : i32
    %mul3A_44 = arith.constant 512 : i32
    %mul3A_45 = arith.muli %add3A, %mul3A_44 : i32
    "tpu.region"() ({
      %run_scoped3A = tpu.sem_alloc : memref<!tpu.dma_semaphore, #tpu.memory_space<semaphore_mem>>
      %dma_start3A_216 = arith.constant 2560 : i32
      %dma_start3A_217 = tpu.memref_slice %arg8[%dma_start3A_216] : memref<3072xi32, #tpu.memory_space<vmem>> -> memref<512xi32, #tpu.memory_space<vmem>>
      %dma_start3A_218 = tpu.memref_slice %arg5[%mul3A_45] : memref<16384xi32, #tpu.memory_space<hbm>> -> memref<512xi32, #tpu.memory_space<hbm>>
      %dma_start3A_219 = arith.constant 2560 : i32
      %dma_start3A_220 = tpu.memref_slice %arg8[%dma_start3A_219] : memref<3072xi32, #tpu.memory_space<vmem>> -> memref<512xi32, #tpu.memory_space<vmem>>
      %dma_start3A_221 = tpu.memref_slice %arg5[%mul3A_45] : memref<16384xi32, #tpu.memory_space<hbm>> -> memref<512xi32, #tpu.memory_space<hbm>>
      tpu.enqueue_dma source(%dma_start3A_221 : memref<512xi32, #tpu.memory_space<hbm>>) target(%dma_start3A_220 : memref<512xi32, #tpu.memory_space<vmem>>) target_semaphore(%run_scoped3A : memref<!tpu.dma_semaphore, #tpu.memory_space<semaphore_mem>>)
      %dma_wait3A_222 = arith.constant 2560 : i32
      %dma_wait3A_223 = tpu.memref_slice %arg8[%dma_wait3A_222] : memref<3072xi32, #tpu.memory_space<vmem>> -> memref<512xi32, #tpu.memory_space<vmem>>
      %dma_wait3A_224 = tpu.memref_slice %arg5[%mul3A_45] : memref<16384xi32, #tpu.memory_space<hbm>> -> memref<512xi32, #tpu.memory_space<hbm>>
      %dma_wait3A_225 = arith.constant 2560 : i32
      %dma_wait3A_226 = tpu.memref_slice %arg8[%dma_wait3A_225] : memref<3072xi32, #tpu.memory_space<vmem>> -> memref<512xi32, #tpu.memory_space<vmem>>
      %dma_wait3A_227 = tpu.memref_slice %arg5[%mul3A_45] : memref<16384xi32, #tpu.memory_space<hbm>> -> memref<512xi32, #tpu.memory_space<hbm>>
      tpu.wait_dma2 semaphore(%run_scoped3A : memref<!tpu.dma_semaphore, #tpu.memory_space<semaphore_mem>>) src(%dma_wait3A_227 : memref<512xi32, #tpu.memory_space<hbm>>) dst(%dma_wait3A_226 : memref<512xi32, #tpu.memory_space<vmem>>)
      tpu.yield
    }) : () -> ()
    %scan3A_46 = arith.constant 0 : i32
    %scan3A_47 = arith.constant 0 : i32
    %mul3A_48 = arith.constant 4 : i32
    %mul3A_49 = arith.muli %scan3A_47, %mul3A_48 : i32
    %gt3A = arith.constant 0 : i32
    %gt3A_50 = arith.cmpi sgt, %scan3A_47, %gt3A : i32
    %convert_element_type3A = arith.extui %gt3A_50 : i1 to i32
    %cond3A = arith.constant 0 : i32
    %cond3A_51 = arith.cmpi ne, %convert_element_type3A, %cond3A : i32
    scf.if %cond3A_51 {
      %add3A_216 = arith.constant 0 : i32
      %add3A_217 = arith.addi %mul3A_43, %add3A_216 : i32
      %mul3A_218 = arith.constant 128 : i32
      %mul3A_219 = arith.muli %add3A_217, %mul3A_218 : i32
      %dma_wait3A_220 = arith.constant 0 : i32
      %dma_wait3A_221 = tpu.memref_slice %arg7[%mul3A_219, %dma_wait3A_220] : memref<16384x64xf32, #tpu.memory_space<hbm>> -> memref<128x64xf32, #tpu.memory_space<hbm>>
      %dma_wait3A_222 = arith.constant 0 : i32
      %dma_wait3A_223 = tpu.memref_slice %arg7[%mul3A_219, %dma_wait3A_222] : memref<16384x64xf32, #tpu.memory_space<hbm>> -> memref<128x64xf32, #tpu.memory_space<hbm>>
      tpu.wait_dma2 semaphore(%arg17 : memref<!tpu.dma_semaphore, #tpu.memory_space<semaphore_mem>>) src(%arg9 : memref<128x64xf32, #tpu.memory_space<vmem>>) dst(%dma_wait3A_223 : memref<128x64xf32, #tpu.memory_space<hbm>>)
    } else {
    }
    %add3A_52 = arith.constant 0 : i32
    %add3A_53 = arith.addi %mul3A_49, %add3A_52 : i32
    %mul3A_54 = arith.constant 128 : i32
    %mul3A_55 = arith.muli %add3A_53, %mul3A_54 : i32
    %add3A_56 = arith.constant 2560 : i32
    %add3A_57 = arith.addi %add3A_56, %mul3A_55 : i32
    %dma_start3A = tpu.memref_slice %arg8[%add3A_57] : memref<3072xi32, #tpu.memory_space<vmem>> -> memref<128xi32, #tpu.memory_space<vmem>>
    %dma_start3A_58 = arith.constant 0 : i32
    %dma_start3A_59 = arith.constant 0 : i32
    %dma_start3A_60 = tpu.memref_slice %arg3[%dma_start3A_58, %dma_start3A_59] : memref<1024x64xf32, #tpu.memory_space<hbm>> -> memref<1024x64xf32, #tpu.memory_space<hbm>>
    tpu.enqueue_indirect_dma source(%dma_start3A_60 : memref<1024x64xf32, #tpu.memory_space<hbm>>) target(%arg9 : memref<128x64xf32, #tpu.memory_space<vmem>>) offsets(%dma_start3A : memref<128xi32, #tpu.memory_space<vmem>>) semaphore(%arg13 : memref<!tpu.dma_semaphore, #tpu.memory_space<semaphore_mem>>)
    %gt3A_61 = arith.constant 0 : i32
    %gt3A_62 = arith.cmpi sgt, %scan3A_47, %gt3A_61 : i32
    %convert_element_type3A_63 = arith.extui %gt3A_62 : i1 to i32
    %cond3A_64 = arith.constant 0 : i32
    %cond3A_65 = arith.cmpi ne, %convert_element_type3A_63, %cond3A_64 : i32
    scf.if %cond3A_65 {
      %add3A_216 = arith.constant 0 : i32
      %add3A_217 = arith.addi %mul3A_43, %add3A_216 : i32
      %mul3A_218 = arith.constant 128 : i32
      %mul3A_219 = arith.muli %add3A_217, %mul3A_218 : i32
      %dma_wait3A_220 = arith.constant 0 : i32
      %dma_wait3A_221 = tpu.memref_slice %arg7[%mul3A_219, %dma_wait3A_220] : memref<16384x64xf32, #tpu.memory_space<hbm>> -> memref<128x64xf32, #tpu.memory_space<hbm>>
      %dma_wait3A_222 = arith.constant 0 : i32
      %dma_wait3A_223 = tpu.memref_slice %arg7[%mul3A_219, %dma_wait3A_222] : memref<16384x64xf32, #tpu.memory_space<hbm>> -> memref<128x64xf32, #tpu.memory_space<hbm>>
      tpu.wait_dma2 semaphore(%arg18 : memref<!tpu.dma_semaphore, #tpu.memory_space<semaphore_mem>>) src(%arg10 : memref<128x64xf32, #tpu.memory_space<vmem>>) dst(%dma_wait3A_223 : memref<128x64xf32, #tpu.memory_space<hbm>>)
    } else {
    }
    %add3A_66 = arith.constant 1 : i32
    %add3A_67 = arith.addi %mul3A_49, %add3A_66 : i32
    %mul3A_68 = arith.constant 128 : i32
    %mul3A_69 = arith.muli %add3A_67, %mul3A_68 : i32
    %add3A_70 = arith.constant 2560 : i32
    %add3A_71 = arith.addi %add3A_70, %mul3A_69 : i32
    %dma_start3A_72 = tpu.memref_slice %arg8[%add3A_71] : memref<3072xi32, #tpu.memory_space<vmem>> -> memref<128xi32, #tpu.memory_space<vmem>>
    %dma_start3A_73 = arith.constant 0 : i32
    %dma_start3A_74 = arith.constant 0 : i32
    %dma_start3A_75 = tpu.memref_slice %arg3[%dma_start3A_73, %dma_start3A_74] : memref<1024x64xf32, #tpu.memory_space<hbm>> -> memref<1024x64xf32, #tpu.memory_space<hbm>>
    tpu.enqueue_indirect_dma source(%dma_start3A_75 : memref<1024x64xf32, #tpu.memory_space<hbm>>) target(%arg10 : memref<128x64xf32, #tpu.memory_space<vmem>>) offsets(%dma_start3A_72 : memref<128xi32, #tpu.memory_space<vmem>>) semaphore(%arg14 : memref<!tpu.dma_semaphore, #tpu.memory_space<semaphore_mem>>)
    %gt3A_76 = arith.constant 0 : i32
    %gt3A_77 = arith.cmpi sgt, %scan3A_47, %gt3A_76 : i32
    %convert_element_type3A_78 = arith.extui %gt3A_77 : i1 to i32
    %cond3A_79 = arith.constant 0 : i32
    %cond3A_80 = arith.cmpi ne, %convert_element_type3A_78, %cond3A_79 : i32
    scf.if %cond3A_80 {
      %add3A_216 = arith.constant 0 : i32
      %add3A_217 = arith.addi %mul3A_43, %add3A_216 : i32
      %mul3A_218 = arith.constant 128 : i32
      %mul3A_219 = arith.muli %add3A_217, %mul3A_218 : i32
      %dma_wait3A_220 = arith.constant 0 : i32
      %dma_wait3A_221 = tpu.memref_slice %arg7[%mul3A_219, %dma_wait3A_220] : memref<16384x64xf32, #tpu.memory_space<hbm>> -> memref<128x64xf32, #tpu.memory_space<hbm>>
      %dma_wait3A_222 = arith.constant 0 : i32
      %dma_wait3A_223 = tpu.memref_slice %arg7[%mul3A_219, %dma_wait3A_222] : memref<16384x64xf32, #tpu.memory_space<hbm>> -> memref<128x64xf32, #tpu.memory_space<hbm>>
      tpu.wait_dma2 semaphore(%arg19 : memref<!tpu.dma_semaphore, #tpu.memory_space<semaphore_mem>>) src(%arg11 : memref<128x64xf32, #tpu.memory_space<vmem>>) dst(%dma_wait3A_223 : memref<128x64xf32, #tpu.memory_space<hbm>>)
    } else {
    }
    %add3A_81 = arith.constant 2 : i32
    %add3A_82 = arith.addi %mul3A_49, %add3A_81 : i32
    %mul3A_83 = arith.constant 128 : i32
    %mul3A_84 = arith.muli %add3A_82, %mul3A_83 : i32
    %add3A_85 = arith.constant 2560 : i32
    %add3A_86 = arith.addi %add3A_85, %mul3A_84 : i32
    %dma_start3A_87 = tpu.memref_slice %arg8[%add3A_86] : memref<3072xi32, #tpu.memory_space<vmem>> -> memref<128xi32, #tpu.memory_space<vmem>>
    %dma_start3A_88 = arith.constant 0 : i32
    %dma_start3A_89 = arith.constant 0 : i32
    %dma_start3A_90 = tpu.memref_slice %arg3[%dma_start3A_88, %dma_start3A_89] : memref<1024x64xf32, #tpu.memory_space<hbm>> -> memref<1024x64xf32, #tpu.memory_space<hbm>>
    tpu.enqueue_indirect_dma source(%dma_start3A_90 : memref<1024x64xf32, #tpu.memory_space<hbm>>) target(%arg11 : memref<128x64xf32, #tpu.memory_space<vmem>>) offsets(%dma_start3A_87 : memref<128xi32, #tpu.memory_space<vmem>>) semaphore(%arg15 : memref<!tpu.dma_semaphore, #tpu.memory_space<semaphore_mem>>)
    %gt3A_91 = arith.constant 0 : i32
    %gt3A_92 = arith.cmpi sgt, %scan3A_47, %gt3A_91 : i32
    %convert_element_type3A_93 = arith.extui %gt3A_92 : i1 to i32
    %cond3A_94 = arith.constant 0 : i32
    %cond3A_95 = arith.cmpi ne, %convert_element_type3A_93, %cond3A_94 : i32
    scf.if %cond3A_95 {
      %add3A_216 = arith.constant 0 : i32
      %add3A_217 = arith.addi %mul3A_43, %add3A_216 : i32
      %mul3A_218 = arith.constant 128 : i32
      %mul3A_219 = arith.muli %add3A_217, %mul3A_218 : i32
      %dma_wait3A_220 = arith.constant 0 : i32
      %dma_wait3A_221 = tpu.memref_slice %arg7[%mul3A_219, %dma_wait3A_220] : memref<16384x64xf32, #tpu.memory_space<hbm>> -> memref<128x64xf32, #tpu.memory_space<hbm>>
      %dma_wait3A_222 = arith.constant 0 : i32
      %dma_wait3A_223 = tpu.memref_slice %arg7[%mul3A_219, %dma_wait3A_222] : memref<16384x64xf32, #tpu.memory_space<hbm>> -> memref<128x64xf32, #tpu.memory_space<hbm>>
      tpu.wait_dma2 semaphore(%arg20 : memref<!tpu.dma_semaphore, #tpu.memory_space<semaphore_mem>>) src(%arg12 : memref<128x64xf32, #tpu.memory_space<vmem>>) dst(%dma_wait3A_223 : memref<128x64xf32, #tpu.memory_space<hbm>>)
    } else {
    }
    %add3A_96 = arith.constant 3 : i32
    %add3A_97 = arith.addi %mul3A_49, %add3A_96 : i32
    %mul3A_98 = arith.constant 128 : i32
    %mul3A_99 = arith.muli %add3A_97, %mul3A_98 : i32
    %add3A_100 = arith.constant 2560 : i32
    %add3A_101 = arith.addi %add3A_100, %mul3A_99 : i32
    %dma_start3A_102 = tpu.memref_slice %arg8[%add3A_101] : memref<3072xi32, #tpu.memory_space<vmem>> -> memref<128xi32, #tpu.memory_space<vmem>>
    %dma_start3A_103 = arith.constant 0 : i32
    %dma_start3A_104 = arith.constant 0 : i32
    %dma_start3A_105 = tpu.memref_slice %arg3[%dma_start3A_103, %dma_start3A_104] : memref<1024x64xf32, #tpu.memory_space<hbm>> -> memref<1024x64xf32, #tpu.memory_space<hbm>>
    tpu.enqueue_indirect_dma source(%dma_start3A_105 : memref<1024x64xf32, #tpu.memory_space<hbm>>) target(%arg12 : memref<128x64xf32, #tpu.memory_space<vmem>>) offsets(%dma_start3A_102 : memref<128xi32, #tpu.memory_space<vmem>>) semaphore(%arg16 : memref<!tpu.dma_semaphore, #tpu.memory_space<semaphore_mem>>)
    %add3A_106 = arith.constant 0 : i32
    %add3A_107 = arith.addi %mul3A_49, %add3A_106 : i32
    %mul3A_108 = arith.constant 128 : i32
    %mul3A_109 = arith.muli %add3A_107, %mul3A_108 : i32
    %add3A_110 = arith.constant 2560 : i32
    %add3A_111 = arith.addi %add3A_110, %mul3A_109 : i32
    %dma_wait3A_112 = tpu.memref_slice %arg8[%add3A_111] : memref<3072xi32, #tpu.memory_space<vmem>> -> memref<128xi32, #tpu.memory_space<vmem>>
    %dma_wait3A_113 = arith.constant 0 : i32
    %dma_wait3A_114 = arith.constant 0 : i32
    %dma_wait3A_115 = tpu.memref_slice %arg3[%dma_wait3A_113, %dma_wait3A_114] : memref<1024x64xf32, #tpu.memory_space<hbm>> -> memref<1024x64xf32, #tpu.memory_space<hbm>>
    tpu.wait_indirect_dma semaphore(%arg13 : memref<!tpu.dma_semaphore, #tpu.memory_space<semaphore_mem>>) src(%dma_wait3A_115 : memref<1024x64xf32, #tpu.memory_space<hbm>>) dst(%arg9 : memref<128x64xf32, #tpu.memory_space<vmem>>)
    %add3A_116 = arith.constant 0 : i32
    %add3A_117 = arith.addi %mul3A_49, %add3A_116 : i32
    %add3A_118 = arith.addi %mul3A_43, %add3A_117 : i32
    %mul3A_119 = arith.constant 128 : i32
    %mul3A_120 = arith.muli %add3A_118, %mul3A_119 : i32
    %dma_start3A_121 = arith.constant 0 : i32
    %dma_start3A_122 = tpu.memref_slice %arg7[%mul3A_120, %dma_start3A_121] : memref<16384x64xf32, #tpu.memory_space<hbm>> -> memref<128x64xf32, #tpu.memory_space<hbm>>
    %dma_start3A_123 = arith.constant 0 : i32
    %dma_start3A_124 = tpu.memref_slice %arg7[%mul3A_120, %dma_start3A_123] : memref<16384x64xf32, #tpu.memory_space<hbm>> -> memref<128x64xf32, #tpu.memory_space<hbm>>
    tpu.enqueue_dma source(%arg9 : memref<128x64xf32, #tpu.memory_space<vmem>>) target(%dma_start3A_124 : memref<128x64xf32, #tpu.memory_space<hbm>>) target_semaphore(%arg17 : memref<!tpu.dma_semaphore, #tpu.memory_space<semaphore_mem>>)
    %add3A_125 = arith.constant 1 : i32
    %add3A_126 = arith.addi %mul3A_49, %add3A_125 : i32
    %mul3A_127 = arith.constant 128 : i32
    %mul3A_128 = arith.muli %add3A_126, %mul3A_127 : i32
    %add3A_129 = arith.constant 2560 : i32
    %add3A_130 = arith.addi %add3A_129, %mul3A_128 : i32
    %dma_wait3A_131 = tpu.memref_slice %arg8[%add3A_130] : memref<3072xi32, #tpu.memory_space<vmem>> -> memref<128xi32, #tpu.memory_space<vmem>>
    %dma_wait3A_132 = arith.constant 0 : i32
    %dma_wait3A_133 = arith.constant 0 : i32
    %dma_wait3A_134 = tpu.memref_slice %arg3[%dma_wait3A_132, %dma_wait3A_133] : memref<1024x64xf32, #tpu.memory_space<hbm>> -> memref<1024x64xf32, #tpu.memory_space<hbm>>
    tpu.wait_indirect_dma semaphore(%arg14 : memref<!tpu.dma_semaphore, #tpu.memory_space<semaphore_mem>>) src(%dma_wait3A_134 : memref<1024x64xf32, #tpu.memory_space<hbm>>) dst(%arg10 : memref<128x64xf32, #tpu.memory_space<vmem>>)
    %add3A_135 = arith.constant 1 : i32
    %add3A_136 = arith.addi %mul3A_49, %add3A_135 : i32
    %add3A_137 = arith.addi %mul3A_43, %add3A_136 : i32
    %mul3A_138 = arith.constant 128 : i32
    %mul3A_139 = arith.muli %add3A_137, %mul3A_138 : i32
    %dma_start3A_140 = arith.constant 0 : i32
    %dma_start3A_141 = tpu.memref_slice %arg7[%mul3A_139, %dma_start3A_140] : memref<16384x64xf32, #tpu.memory_space<hbm>> -> memref<128x64xf32, #tpu.memory_space<hbm>>
    %dma_start3A_142 = arith.constant 0 : i32
    %dma_start3A_143 = tpu.memref_slice %arg7[%mul3A_139, %dma_start3A_142] : memref<16384x64xf32, #tpu.memory_space<hbm>> -> memref<128x64xf32, #tpu.memory_space<hbm>>
    tpu.enqueue_dma source(%arg10 : memref<128x64xf32, #tpu.memory_space<vmem>>) target(%dma_start3A_143 : memref<128x64xf32, #tpu.memory_space<hbm>>) target_semaphore(%arg18 : memref<!tpu.dma_semaphore, #tpu.memory_space<semaphore_mem>>)
    %add3A_144 = arith.constant 2 : i32
    %add3A_145 = arith.addi %mul3A_49, %add3A_144 : i32
    %mul3A_146 = arith.constant 128 : i32
    %mul3A_147 = arith.muli %add3A_145, %mul3A_146 : i32
    %add3A_148 = arith.constant 2560 : i32
    %add3A_149 = arith.addi %add3A_148, %mul3A_147 : i32
    %dma_wait3A_150 = tpu.memref_slice %arg8[%add3A_149] : memref<3072xi32, #tpu.memory_space<vmem>> -> memref<128xi32, #tpu.memory_space<vmem>>
    %dma_wait3A_151 = arith.constant 0 : i32
    %dma_wait3A_152 = arith.constant 0 : i32
    %dma_wait3A_153 = tpu.memref_slice %arg3[%dma_wait3A_151, %dma_wait3A_152] : memref<1024x64xf32, #tpu.memory_space<hbm>> -> memref<1024x64xf32, #tpu.memory_space<hbm>>
    tpu.wait_indirect_dma semaphore(%arg15 : memref<!tpu.dma_semaphore, #tpu.memory_space<semaphore_mem>>) src(%dma_wait3A_153 : memref<1024x64xf32, #tpu.memory_space<hbm>>) dst(%arg11 : memref<128x64xf32, #tpu.memory_space<vmem>>)
    %add3A_154 = arith.constant 2 : i32
    %add3A_155 = arith.addi %mul3A_49, %add3A_154 : i32
    %add3A_156 = arith.addi %mul3A_43, %add3A_155 : i32
    %mul3A_157 = arith.constant 128 : i32
    %mul3A_158 = arith.muli %add3A_156, %mul3A_157 : i32
    %dma_start3A_159 = arith.constant 0 : i32
    %dma_start3A_160 = tpu.memref_slice %arg7[%mul3A_158, %dma_start3A_159] : memref<16384x64xf32, #tpu.memory_space<hbm>> -> memref<128x64xf32, #tpu.memory_space<hbm>>
    %dma_start3A_161 = arith.constant 0 : i32
    %dma_start3A_162 = tpu.memref_slice %arg7[%mul3A_158, %dma_start3A_161] : memref<16384x64xf32, #tpu.memory_space<hbm>> -> memref<128x64xf32, #tpu.memory_space<hbm>>
    tpu.enqueue_dma source(%arg11 : memref<128x64xf32, #tpu.memory_space<vmem>>) target(%dma_start3A_162 : memref<128x64xf32, #tpu.memory_space<hbm>>) target_semaphore(%arg19 : memref<!tpu.dma_semaphore, #tpu.memory_space<semaphore_mem>>)
    %add3A_163 = arith.constant 3 : i32
    %add3A_164 = arith.addi %mul3A_49, %add3A_163 : i32
    %mul3A_165 = arith.constant 128 : i32
    %mul3A_166 = arith.muli %add3A_164, %mul3A_165 : i32
    %add3A_167 = arith.constant 2560 : i32
    %add3A_168 = arith.addi %add3A_167, %mul3A_166 : i32
    %dma_wait3A_169 = tpu.memref_slice %arg8[%add3A_168] : memref<3072xi32, #tpu.memory_space<vmem>> -> memref<128xi32, #tpu.memory_space<vmem>>
    %dma_wait3A_170 = arith.constant 0 : i32
    %dma_wait3A_171 = arith.constant 0 : i32
    %dma_wait3A_172 = tpu.memref_slice %arg3[%dma_wait3A_170, %dma_wait3A_171] : memref<1024x64xf32, #tpu.memory_space<hbm>> -> memref<1024x64xf32, #tpu.memory_space<hbm>>
    tpu.wait_indirect_dma semaphore(%arg16 : memref<!tpu.dma_semaphore, #tpu.memory_space<semaphore_mem>>) src(%dma_wait3A_172 : memref<1024x64xf32, #tpu.memory_space<hbm>>) dst(%arg12 : memref<128x64xf32, #tpu.memory_space<vmem>>)
    %add3A_173 = arith.constant 3 : i32
    %add3A_174 = arith.addi %mul3A_49, %add3A_173 : i32
    %add3A_175 = arith.addi %mul3A_43, %add3A_174 : i32
    %mul3A_176 = arith.constant 128 : i32
    %mul3A_177 = arith.muli %add3A_175, %mul3A_176 : i32
    %dma_start3A_178 = arith.constant 0 : i32
    %dma_start3A_179 = tpu.memref_slice %arg7[%mul3A_177, %dma_start3A_178] : memref<16384x64xf32, #tpu.memory_space<hbm>> -> memref<128x64xf32, #tpu.memory_space<hbm>>
    %dma_start3A_180 = arith.constant 0 : i32
    %dma_start3A_181 = tpu.memref_slice %arg7[%mul3A_177, %dma_start3A_180] : memref<16384x64xf32, #tpu.memory_space<hbm>> -> memref<128x64xf32, #tpu.memory_space<hbm>>
    tpu.enqueue_dma source(%arg12 : memref<128x64xf32, #tpu.memory_space<vmem>>) target(%dma_start3A_181 : memref<128x64xf32, #tpu.memory_space<hbm>>) target_semaphore(%arg20 : memref<!tpu.dma_semaphore, #tpu.memory_space<semaphore_mem>>)
    %scan3A_182 = arith.constant 0 : i32
    %scan3A_183 = arith.constant 1 : i32
    %add3A_184 = arith.constant 0 : i32
    %add3A_185 = arith.addi %mul3A_43, %add3A_184 : i32
    %mul3A_186 = arith.constant 128 : i32
    %mul3A_187 = arith.muli %add3A_185, %mul3A_186 : i32
    %dma_wait3A_188 = arith.constant 0 : i32
    %dma_wait3A_189 = tpu.memref_slice %arg7[%mul3A_187, %dma_wait3A_188] : memref<16384x64xf32, #tpu.memory_space<hbm>> -> memref<128x64xf32, #tpu.memory_space<hbm>>
    %dma_wait3A_190 = arith.constant 0 : i32
    %dma_wait3A_191 = tpu.memref_slice %arg7[%mul3A_187, %dma_wait3A_190] : memref<16384x64xf32, #tpu.memory_space<hbm>> -> memref<128x64xf32, #tpu.memory_space<hbm>>
    tpu.wait_dma2 semaphore(%arg17 : memref<!tpu.dma_semaphore, #tpu.memory_space<semaphore_mem>>) src(%arg9 : memref<128x64xf32, #tpu.memory_space<vmem>>) dst(%dma_wait3A_191 : memref<128x64xf32, #tpu.memory_space<hbm>>)
    %add3A_192 = arith.constant 0 : i32
    %add3A_193 = arith.addi %mul3A_43, %add3A_192 : i32
    %mul3A_194 = arith.constant 128 : i32
    %mul3A_195 = arith.muli %add3A_193, %mul3A_194 : i32
    %dma_wait3A_196 = arith.constant 0 : i32
    %dma_wait3A_197 = tpu.memref_slice %arg7[%mul3A_195, %dma_wait3A_196] : memref<16384x64xf32, #tpu.memory_space<hbm>> -> memref<128x64xf32, #tpu.memory_space<hbm>>
    %dma_wait3A_198 = arith.constant 0 : i32
    %dma_wait3A_199 = tpu.memref_slice %arg7[%mul3A_195, %dma_wait3A_198] : memref<16384x64xf32, #tpu.memory_space<hbm>> -> memref<128x64xf32, #tpu.memory_space<hbm>>
    tpu.wait_dma2 semaphore(%arg18 : memref<!tpu.dma_semaphore, #tpu.memory_space<semaphore_mem>>) src(%arg10 : memref<128x64xf32, #tpu.memory_space<vmem>>) dst(%dma_wait3A_199 : memref<128x64xf32, #tpu.memory_space<hbm>>)
    %add3A_200 = arith.constant 0 : i32
    %add3A_201 = arith.addi %mul3A_43, %add3A_200 : i32
    %mul3A_202 = arith.constant 128 : i32
    %mul3A_203 = arith.muli %add3A_201, %mul3A_202 : i32
    %dma_wait3A_204 = arith.constant 0 : i32
    %dma_wait3A_205 = tpu.memref_slice %arg7[%mul3A_203, %dma_wait3A_204] : memref<16384x64xf32, #tpu.memory_space<hbm>> -> memref<128x64xf32, #tpu.memory_space<hbm>>
    %dma_wait3A_206 = arith.constant 0 : i32
    %dma_wait3A_207 = tpu.memref_slice %arg7[%mul3A_203, %dma_wait3A_206] : memref<16384x64xf32, #tpu.memory_space<hbm>> -> memref<128x64xf32, #tpu.memory_space<hbm>>
    tpu.wait_dma2 semaphore(%arg19 : memref<!tpu.dma_semaphore, #tpu.memory_space<semaphore_mem>>) src(%arg11 : memref<128x64xf32, #tpu.memory_space<vmem>>) dst(%dma_wait3A_207 : memref<128x64xf32, #tpu.memory_space<hbm>>)
    %add3A_208 = arith.constant 0 : i32
    %add3A_209 = arith.addi %mul3A_43, %add3A_208 : i32
    %mul3A_210 = arith.constant 128 : i32
    %mul3A_211 = arith.muli %add3A_209, %mul3A_210 : i32
    %dma_wait3A_212 = arith.constant 0 : i32
    %dma_wait3A_213 = tpu.memref_slice %arg7[%mul3A_211, %dma_wait3A_212] : memref<16384x64xf32, #tpu.memory_space<hbm>> -> memref<128x64xf32, #tpu.memory_space<hbm>>
    %dma_wait3A_214 = arith.constant 0 : i32
    %dma_wait3A_215 = tpu.memref_slice %arg7[%mul3A_211, %dma_wait3A_214] : memref<16384x64xf32, #tpu.memory_space<hbm>> -> memref<128x64xf32, #tpu.memory_space<hbm>>
    tpu.wait_dma2 semaphore(%arg20 : memref<!tpu.dma_semaphore, #tpu.memory_space<semaphore_mem>>) src(%arg12 : memref<128x64xf32, #tpu.memory_space<vmem>>) dst(%dma_wait3A_215 : memref<128x64xf32, #tpu.memory_space<hbm>>)
    return
  }
}

#map = affine_map<(d0, d1) -> (0, 0)>
#map1 = affine_map<(d0, d1) -> (0)>
module attributes {stable_mosaic.version = 14 : i64} {
  func.func @gather_k(%arg0: i32, %arg1: i32, %arg2: memref<20000x64xf32, #tpu.memory_space<hbm>>, %arg3: memref<204800xi32, #tpu.memory_space<hbm>>, %arg4: memref<204800x64xf32, #tpu.memory_space<hbm>>, %arg5: memref<6400xi32, #tpu.memory_space<vmem>>, %arg6: memref<128x64xf32, #tpu.memory_space<vmem>>, %arg7: memref<128x64xf32, #tpu.memory_space<vmem>>, %arg8: memref<128x64xf32, #tpu.memory_space<vmem>>, %arg9: memref<128x64xf32, #tpu.memory_space<vmem>>, %arg10: memref<!tpu.dma_semaphore, #tpu.memory_space<semaphore_mem>>, %arg11: memref<!tpu.dma_semaphore, #tpu.memory_space<semaphore_mem>>, %arg12: memref<!tpu.dma_semaphore, #tpu.memory_space<semaphore_mem>>, %arg13: memref<!tpu.dma_semaphore, #tpu.memory_space<semaphore_mem>>, %arg14: memref<!tpu.dma_semaphore, #tpu.memory_space<semaphore_mem>>, %arg15: memref<!tpu.dma_semaphore, #tpu.memory_space<semaphore_mem>>, %arg16: memref<!tpu.dma_semaphore, #tpu.memory_space<semaphore_mem>>, %arg17: memref<!tpu.dma_semaphore, #tpu.memory_space<semaphore_mem>>) attributes {dimension_semantics = [#tpu.dimension_semantics<core_parallel>, #tpu.dimension_semantics<subcore_parallel>], iteration_bounds = array<i64: 2, 16>, scalar_prefetch = 0 : i64, scratch_operands = 13 : i64, tpu.core_type = #tpu.core_type<sc_vector_subcore>, window_params = [{transform_indices = #map}, {transform_indices = #map1}, {transform_indices = #map}]} {
    %mul3A = arith.constant 2 : i32
    %mul3A_0 = arith.muli %arg1, %mul3A : i32
    %add3A = arith.addi %mul3A_0, %arg0 : i32
    %mul3A_1 = arith.constant 50 : i32
    %mul3A_2 = arith.muli %add3A, %mul3A_1 : i32
    %mul3A_3 = arith.constant 6400 : i32
    %mul3A_4 = arith.muli %add3A, %mul3A_3 : i32
    "tpu.region"() ({
      %run_scoped3A = tpu.sem_alloc : memref<!tpu.dma_semaphore, #tpu.memory_space<semaphore_mem>>
      %dma_start3A_93 = arith.constant 0 : i32
      %dma_start3A_94 = tpu.memref_slice %arg5[%dma_start3A_93] : memref<6400xi32, #tpu.memory_space<vmem>> -> memref<6400xi32, #tpu.memory_space<vmem>>
      %dma_start3A_95 = tpu.memref_slice %arg3[%mul3A_4] : memref<204800xi32, #tpu.memory_space<hbm>> -> memref<6400xi32, #tpu.memory_space<hbm>>
      %dma_start3A_96 = arith.constant 0 : i32
      %dma_start3A_97 = tpu.memref_slice %arg5[%dma_start3A_96] : memref<6400xi32, #tpu.memory_space<vmem>> -> memref<6400xi32, #tpu.memory_space<vmem>>
      %dma_start3A_98 = tpu.memref_slice %arg3[%mul3A_4] : memref<204800xi32, #tpu.memory_space<hbm>> -> memref<6400xi32, #tpu.memory_space<hbm>>
      tpu.enqueue_dma source(%dma_start3A_98 : memref<6400xi32, #tpu.memory_space<hbm>>) target(%dma_start3A_97 : memref<6400xi32, #tpu.memory_space<vmem>>) target_semaphore(%run_scoped3A : memref<!tpu.dma_semaphore, #tpu.memory_space<semaphore_mem>>)
      %dma_wait3A_99 = arith.constant 0 : i32
      %dma_wait3A_100 = tpu.memref_slice %arg5[%dma_wait3A_99] : memref<6400xi32, #tpu.memory_space<vmem>> -> memref<6400xi32, #tpu.memory_space<vmem>>
      %dma_wait3A_101 = tpu.memref_slice %arg3[%mul3A_4] : memref<204800xi32, #tpu.memory_space<hbm>> -> memref<6400xi32, #tpu.memory_space<hbm>>
      %dma_wait3A_102 = arith.constant 0 : i32
      %dma_wait3A_103 = tpu.memref_slice %arg5[%dma_wait3A_102] : memref<6400xi32, #tpu.memory_space<vmem>> -> memref<6400xi32, #tpu.memory_space<vmem>>
      %dma_wait3A_104 = tpu.memref_slice %arg3[%mul3A_4] : memref<204800xi32, #tpu.memory_space<hbm>> -> memref<6400xi32, #tpu.memory_space<hbm>>
      tpu.wait_dma2 semaphore(%run_scoped3A : memref<!tpu.dma_semaphore, #tpu.memory_space<semaphore_mem>>) src(%dma_wait3A_104 : memref<6400xi32, #tpu.memory_space<hbm>>) dst(%dma_wait3A_103 : memref<6400xi32, #tpu.memory_space<vmem>>)
      tpu.yield
    }) : () -> ()
    %scan3A = arith.constant 0 : i32
    %scan3A_5 = arith.constant 0 : i32
    %scan3A_6 = arith.constant 12 : i32
    %scan3A_7 = arith.addi %scan3A_5, %scan3A_6 : i32
    %scan3A_8 = arith.constant 1 : i32
    %scan3A_9 = scf.for %scan3A_93 = %scan3A_5 to %scan3A_7 step %scan3A_8 iter_args(%scan3A_94 = %scan3A) -> (i32)  : i32 {
      %mul3A_95 = arith.constant 4 : i32
      %mul3A_96 = arith.muli %scan3A_93, %mul3A_95 : i32
      %gt3A = arith.constant 0 : i32
      %gt3A_97 = arith.cmpi sgt, %scan3A_93, %gt3A : i32
      %convert_element_type3A = arith.extui %gt3A_97 : i1 to i32
      %cond3A = arith.constant 0 : i32
      %cond3A_98 = arith.cmpi ne, %convert_element_type3A, %cond3A : i32
      scf.if %cond3A_98 {
        %add3A_231 = arith.constant 0 : i32
        %add3A_232 = arith.addi %mul3A_2, %add3A_231 : i32
        %mul3A_233 = arith.constant 128 : i32
        %mul3A_234 = arith.muli %add3A_232, %mul3A_233 : i32
        %dma_wait3A_235 = arith.constant 0 : i32
        %dma_wait3A_236 = tpu.memref_slice %arg4[%mul3A_234, %dma_wait3A_235] : memref<204800x64xf32, #tpu.memory_space<hbm>> -> memref<128x64xf32, #tpu.memory_space<hbm>>
        %dma_wait3A_237 = arith.constant 0 : i32
        %dma_wait3A_238 = tpu.memref_slice %arg4[%mul3A_234, %dma_wait3A_237] : memref<204800x64xf32, #tpu.memory_space<hbm>> -> memref<128x64xf32, #tpu.memory_space<hbm>>
        tpu.wait_dma2 semaphore(%arg14 : memref<!tpu.dma_semaphore, #tpu.memory_space<semaphore_mem>>) src(%arg6 : memref<128x64xf32, #tpu.memory_space<vmem>>) dst(%dma_wait3A_238 : memref<128x64xf32, #tpu.memory_space<hbm>>)
      } else {
      }
      %add3A_99 = arith.constant 0 : i32
      %add3A_100 = arith.addi %mul3A_96, %add3A_99 : i32
      %mul3A_101 = arith.constant 128 : i32
      %mul3A_102 = arith.muli %add3A_100, %mul3A_101 : i32
      %add3A_103 = arith.constant 0 : i32
      %add3A_104 = arith.addi %add3A_103, %mul3A_102 : i32
      %dma_start3A_105 = tpu.memref_slice %arg5[%add3A_104] : memref<6400xi32, #tpu.memory_space<vmem>> -> memref<128xi32, #tpu.memory_space<vmem>>
      %dma_start3A_106 = arith.constant 0 : i32
      %dma_start3A_107 = arith.constant 0 : i32
      %dma_start3A_108 = tpu.memref_slice %arg2[%dma_start3A_106, %dma_start3A_107] : memref<20000x64xf32, #tpu.memory_space<hbm>> -> memref<20000x64xf32, #tpu.memory_space<hbm>>
      tpu.enqueue_indirect_dma source(%dma_start3A_108 : memref<20000x64xf32, #tpu.memory_space<hbm>>) target(%arg6 : memref<128x64xf32, #tpu.memory_space<vmem>>) offsets(%dma_start3A_105 : memref<128xi32, #tpu.memory_space<vmem>>) semaphore(%arg10 : memref<!tpu.dma_semaphore, #tpu.memory_space<semaphore_mem>>)
      %gt3A_109 = arith.constant 0 : i32
      %gt3A_110 = arith.cmpi sgt, %scan3A_93, %gt3A_109 : i32
      %convert_element_type3A_111 = arith.extui %gt3A_110 : i1 to i32
      %cond3A_112 = arith.constant 0 : i32
      %cond3A_113 = arith.cmpi ne, %convert_element_type3A_111, %cond3A_112 : i32
      scf.if %cond3A_113 {
        %add3A_231 = arith.constant 0 : i32
        %add3A_232 = arith.addi %mul3A_2, %add3A_231 : i32
        %mul3A_233 = arith.constant 128 : i32
        %mul3A_234 = arith.muli %add3A_232, %mul3A_233 : i32
        %dma_wait3A_235 = arith.constant 0 : i32
        %dma_wait3A_236 = tpu.memref_slice %arg4[%mul3A_234, %dma_wait3A_235] : memref<204800x64xf32, #tpu.memory_space<hbm>> -> memref<128x64xf32, #tpu.memory_space<hbm>>
        %dma_wait3A_237 = arith.constant 0 : i32
        %dma_wait3A_238 = tpu.memref_slice %arg4[%mul3A_234, %dma_wait3A_237] : memref<204800x64xf32, #tpu.memory_space<hbm>> -> memref<128x64xf32, #tpu.memory_space<hbm>>
        tpu.wait_dma2 semaphore(%arg15 : memref<!tpu.dma_semaphore, #tpu.memory_space<semaphore_mem>>) src(%arg7 : memref<128x64xf32, #tpu.memory_space<vmem>>) dst(%dma_wait3A_238 : memref<128x64xf32, #tpu.memory_space<hbm>>)
      } else {
      }
      %add3A_114 = arith.constant 1 : i32
      %add3A_115 = arith.addi %mul3A_96, %add3A_114 : i32
      %mul3A_116 = arith.constant 128 : i32
      %mul3A_117 = arith.muli %add3A_115, %mul3A_116 : i32
      %add3A_118 = arith.constant 0 : i32
      %add3A_119 = arith.addi %add3A_118, %mul3A_117 : i32
      %dma_start3A_120 = tpu.memref_slice %arg5[%add3A_119] : memref<6400xi32, #tpu.memory_space<vmem>> -> memref<128xi32, #tpu.memory_space<vmem>>
      %dma_start3A_121 = arith.constant 0 : i32
      %dma_start3A_122 = arith.constant 0 : i32
      %dma_start3A_123 = tpu.memref_slice %arg2[%dma_start3A_121, %dma_start3A_122] : memref<20000x64xf32, #tpu.memory_space<hbm>> -> memref<20000x64xf32, #tpu.memory_space<hbm>>
      tpu.enqueue_indirect_dma source(%dma_start3A_123 : memref<20000x64xf32, #tpu.memory_space<hbm>>) target(%arg7 : memref<128x64xf32, #tpu.memory_space<vmem>>) offsets(%dma_start3A_120 : memref<128xi32, #tpu.memory_space<vmem>>) semaphore(%arg11 : memref<!tpu.dma_semaphore, #tpu.memory_space<semaphore_mem>>)
      %gt3A_124 = arith.constant 0 : i32
      %gt3A_125 = arith.cmpi sgt, %scan3A_93, %gt3A_124 : i32
      %convert_element_type3A_126 = arith.extui %gt3A_125 : i1 to i32
      %cond3A_127 = arith.constant 0 : i32
      %cond3A_128 = arith.cmpi ne, %convert_element_type3A_126, %cond3A_127 : i32
      scf.if %cond3A_128 {
        %add3A_231 = arith.constant 0 : i32
        %add3A_232 = arith.addi %mul3A_2, %add3A_231 : i32
        %mul3A_233 = arith.constant 128 : i32
        %mul3A_234 = arith.muli %add3A_232, %mul3A_233 : i32
        %dma_wait3A_235 = arith.constant 0 : i32
        %dma_wait3A_236 = tpu.memref_slice %arg4[%mul3A_234, %dma_wait3A_235] : memref<204800x64xf32, #tpu.memory_space<hbm>> -> memref<128x64xf32, #tpu.memory_space<hbm>>
        %dma_wait3A_237 = arith.constant 0 : i32
        %dma_wait3A_238 = tpu.memref_slice %arg4[%mul3A_234, %dma_wait3A_237] : memref<204800x64xf32, #tpu.memory_space<hbm>> -> memref<128x64xf32, #tpu.memory_space<hbm>>
        tpu.wait_dma2 semaphore(%arg16 : memref<!tpu.dma_semaphore, #tpu.memory_space<semaphore_mem>>) src(%arg8 : memref<128x64xf32, #tpu.memory_space<vmem>>) dst(%dma_wait3A_238 : memref<128x64xf32, #tpu.memory_space<hbm>>)
      } else {
      }
      %add3A_129 = arith.constant 2 : i32
      %add3A_130 = arith.addi %mul3A_96, %add3A_129 : i32
      %mul3A_131 = arith.constant 128 : i32
      %mul3A_132 = arith.muli %add3A_130, %mul3A_131 : i32
      %add3A_133 = arith.constant 0 : i32
      %add3A_134 = arith.addi %add3A_133, %mul3A_132 : i32
      %dma_start3A_135 = tpu.memref_slice %arg5[%add3A_134] : memref<6400xi32, #tpu.memory_space<vmem>> -> memref<128xi32, #tpu.memory_space<vmem>>
      %dma_start3A_136 = arith.constant 0 : i32
      %dma_start3A_137 = arith.constant 0 : i32
      %dma_start3A_138 = tpu.memref_slice %arg2[%dma_start3A_136, %dma_start3A_137] : memref<20000x64xf32, #tpu.memory_space<hbm>> -> memref<20000x64xf32, #tpu.memory_space<hbm>>
      tpu.enqueue_indirect_dma source(%dma_start3A_138 : memref<20000x64xf32, #tpu.memory_space<hbm>>) target(%arg8 : memref<128x64xf32, #tpu.memory_space<vmem>>) offsets(%dma_start3A_135 : memref<128xi32, #tpu.memory_space<vmem>>) semaphore(%arg12 : memref<!tpu.dma_semaphore, #tpu.memory_space<semaphore_mem>>)
      %gt3A_139 = arith.constant 0 : i32
      %gt3A_140 = arith.cmpi sgt, %scan3A_93, %gt3A_139 : i32
      %convert_element_type3A_141 = arith.extui %gt3A_140 : i1 to i32
      %cond3A_142 = arith.constant 0 : i32
      %cond3A_143 = arith.cmpi ne, %convert_element_type3A_141, %cond3A_142 : i32
      scf.if %cond3A_143 {
        %add3A_231 = arith.constant 0 : i32
        %add3A_232 = arith.addi %mul3A_2, %add3A_231 : i32
        %mul3A_233 = arith.constant 128 : i32
        %mul3A_234 = arith.muli %add3A_232, %mul3A_233 : i32
        %dma_wait3A_235 = arith.constant 0 : i32
        %dma_wait3A_236 = tpu.memref_slice %arg4[%mul3A_234, %dma_wait3A_235] : memref<204800x64xf32, #tpu.memory_space<hbm>> -> memref<128x64xf32, #tpu.memory_space<hbm>>
        %dma_wait3A_237 = arith.constant 0 : i32
        %dma_wait3A_238 = tpu.memref_slice %arg4[%mul3A_234, %dma_wait3A_237] : memref<204800x64xf32, #tpu.memory_space<hbm>> -> memref<128x64xf32, #tpu.memory_space<hbm>>
        tpu.wait_dma2 semaphore(%arg17 : memref<!tpu.dma_semaphore, #tpu.memory_space<semaphore_mem>>) src(%arg9 : memref<128x64xf32, #tpu.memory_space<vmem>>) dst(%dma_wait3A_238 : memref<128x64xf32, #tpu.memory_space<hbm>>)
      } else {
      }
      %add3A_144 = arith.constant 3 : i32
      %add3A_145 = arith.addi %mul3A_96, %add3A_144 : i32
      %mul3A_146 = arith.constant 128 : i32
      %mul3A_147 = arith.muli %add3A_145, %mul3A_146 : i32
      %add3A_148 = arith.constant 0 : i32
      %add3A_149 = arith.addi %add3A_148, %mul3A_147 : i32
      %dma_start3A_150 = tpu.memref_slice %arg5[%add3A_149] : memref<6400xi32, #tpu.memory_space<vmem>> -> memref<128xi32, #tpu.memory_space<vmem>>
      %dma_start3A_151 = arith.constant 0 : i32
      %dma_start3A_152 = arith.constant 0 : i32
      %dma_start3A_153 = tpu.memref_slice %arg2[%dma_start3A_151, %dma_start3A_152] : memref<20000x64xf32, #tpu.memory_space<hbm>> -> memref<20000x64xf32, #tpu.memory_space<hbm>>
      tpu.enqueue_indirect_dma source(%dma_start3A_153 : memref<20000x64xf32, #tpu.memory_space<hbm>>) target(%arg9 : memref<128x64xf32, #tpu.memory_space<vmem>>) offsets(%dma_start3A_150 : memref<128xi32, #tpu.memory_space<vmem>>) semaphore(%arg13 : memref<!tpu.dma_semaphore, #tpu.memory_space<semaphore_mem>>)
      %add3A_154 = arith.constant 0 : i32
      %add3A_155 = arith.addi %mul3A_96, %add3A_154 : i32
      %mul3A_156 = arith.constant 128 : i32
      %mul3A_157 = arith.muli %add3A_155, %mul3A_156 : i32
      %add3A_158 = arith.constant 0 : i32
      %add3A_159 = arith.addi %add3A_158, %mul3A_157 : i32
      %dma_wait3A_160 = tpu.memref_slice %arg5[%add3A_159] : memref<6400xi32, #tpu.memory_space<vmem>> -> memref<128xi32, #tpu.memory_space<vmem>>
      %dma_wait3A_161 = arith.constant 0 : i32
      %dma_wait3A_162 = arith.constant 0 : i32
      %dma_wait3A_163 = tpu.memref_slice %arg2[%dma_wait3A_161, %dma_wait3A_162] : memref<20000x64xf32, #tpu.memory_space<hbm>> -> memref<20000x64xf32, #tpu.memory_space<hbm>>
      tpu.wait_indirect_dma semaphore(%arg10 : memref<!tpu.dma_semaphore, #tpu.memory_space<semaphore_mem>>) src(%dma_wait3A_163 : memref<20000x64xf32, #tpu.memory_space<hbm>>) dst(%arg6 : memref<128x64xf32, #tpu.memory_space<vmem>>)
      %add3A_164 = arith.constant 0 : i32
      %add3A_165 = arith.addi %mul3A_96, %add3A_164 : i32
      %add3A_166 = arith.addi %mul3A_2, %add3A_165 : i32
      %mul3A_167 = arith.constant 128 : i32
      %mul3A_168 = arith.muli %add3A_166, %mul3A_167 : i32
      %dma_start3A_169 = arith.constant 0 : i32
      %dma_start3A_170 = tpu.memref_slice %arg4[%mul3A_168, %dma_start3A_169] : memref<204800x64xf32, #tpu.memory_space<hbm>> -> memref<128x64xf32, #tpu.memory_space<hbm>>
      %dma_start3A_171 = arith.constant 0 : i32
      %dma_start3A_172 = tpu.memref_slice %arg4[%mul3A_168, %dma_start3A_171] : memref<204800x64xf32, #tpu.memory_space<hbm>> -> memref<128x64xf32, #tpu.memory_space<hbm>>
      tpu.enqueue_dma source(%arg6 : memref<128x64xf32, #tpu.memory_space<vmem>>) target(%dma_start3A_172 : memref<128x64xf32, #tpu.memory_space<hbm>>) target_semaphore(%arg14 : memref<!tpu.dma_semaphore, #tpu.memory_space<semaphore_mem>>)
      %add3A_173 = arith.constant 1 : i32
      %add3A_174 = arith.addi %mul3A_96, %add3A_173 : i32
      %mul3A_175 = arith.constant 128 : i32
      %mul3A_176 = arith.muli %add3A_174, %mul3A_175 : i32
      %add3A_177 = arith.constant 0 : i32
      %add3A_178 = arith.addi %add3A_177, %mul3A_176 : i32
      %dma_wait3A_179 = tpu.memref_slice %arg5[%add3A_178] : memref<6400xi32, #tpu.memory_space<vmem>> -> memref<128xi32, #tpu.memory_space<vmem>>
      %dma_wait3A_180 = arith.constant 0 : i32
      %dma_wait3A_181 = arith.constant 0 : i32
      %dma_wait3A_182 = tpu.memref_slice %arg2[%dma_wait3A_180, %dma_wait3A_181] : memref<20000x64xf32, #tpu.memory_space<hbm>> -> memref<20000x64xf32, #tpu.memory_space<hbm>>
      tpu.wait_indirect_dma semaphore(%arg11 : memref<!tpu.dma_semaphore, #tpu.memory_space<semaphore_mem>>) src(%dma_wait3A_182 : memref<20000x64xf32, #tpu.memory_space<hbm>>) dst(%arg7 : memref<128x64xf32, #tpu.memory_space<vmem>>)
      %add3A_183 = arith.constant 1 : i32
      %add3A_184 = arith.addi %mul3A_96, %add3A_183 : i32
      %add3A_185 = arith.addi %mul3A_2, %add3A_184 : i32
      %mul3A_186 = arith.constant 128 : i32
      %mul3A_187 = arith.muli %add3A_185, %mul3A_186 : i32
      %dma_start3A_188 = arith.constant 0 : i32
      %dma_start3A_189 = tpu.memref_slice %arg4[%mul3A_187, %dma_start3A_188] : memref<204800x64xf32, #tpu.memory_space<hbm>> -> memref<128x64xf32, #tpu.memory_space<hbm>>
      %dma_start3A_190 = arith.constant 0 : i32
      %dma_start3A_191 = tpu.memref_slice %arg4[%mul3A_187, %dma_start3A_190] : memref<204800x64xf32, #tpu.memory_space<hbm>> -> memref<128x64xf32, #tpu.memory_space<hbm>>
      tpu.enqueue_dma source(%arg7 : memref<128x64xf32, #tpu.memory_space<vmem>>) target(%dma_start3A_191 : memref<128x64xf32, #tpu.memory_space<hbm>>) target_semaphore(%arg15 : memref<!tpu.dma_semaphore, #tpu.memory_space<semaphore_mem>>)
      %add3A_192 = arith.constant 2 : i32
      %add3A_193 = arith.addi %mul3A_96, %add3A_192 : i32
      %mul3A_194 = arith.constant 128 : i32
      %mul3A_195 = arith.muli %add3A_193, %mul3A_194 : i32
      %add3A_196 = arith.constant 0 : i32
      %add3A_197 = arith.addi %add3A_196, %mul3A_195 : i32
      %dma_wait3A_198 = tpu.memref_slice %arg5[%add3A_197] : memref<6400xi32, #tpu.memory_space<vmem>> -> memref<128xi32, #tpu.memory_space<vmem>>
      %dma_wait3A_199 = arith.constant 0 : i32
      %dma_wait3A_200 = arith.constant 0 : i32
      %dma_wait3A_201 = tpu.memref_slice %arg2[%dma_wait3A_199, %dma_wait3A_200] : memref<20000x64xf32, #tpu.memory_space<hbm>> -> memref<20000x64xf32, #tpu.memory_space<hbm>>
      tpu.wait_indirect_dma semaphore(%arg12 : memref<!tpu.dma_semaphore, #tpu.memory_space<semaphore_mem>>) src(%dma_wait3A_201 : memref<20000x64xf32, #tpu.memory_space<hbm>>) dst(%arg8 : memref<128x64xf32, #tpu.memory_space<vmem>>)
      %add3A_202 = arith.constant 2 : i32
      %add3A_203 = arith.addi %mul3A_96, %add3A_202 : i32
      %add3A_204 = arith.addi %mul3A_2, %add3A_203 : i32
      %mul3A_205 = arith.constant 128 : i32
      %mul3A_206 = arith.muli %add3A_204, %mul3A_205 : i32
      %dma_start3A_207 = arith.constant 0 : i32
      %dma_start3A_208 = tpu.memref_slice %arg4[%mul3A_206, %dma_start3A_207] : memref<204800x64xf32, #tpu.memory_space<hbm>> -> memref<128x64xf32, #tpu.memory_space<hbm>>
      %dma_start3A_209 = arith.constant 0 : i32
      %dma_start3A_210 = tpu.memref_slice %arg4[%mul3A_206, %dma_start3A_209] : memref<204800x64xf32, #tpu.memory_space<hbm>> -> memref<128x64xf32, #tpu.memory_space<hbm>>
      tpu.enqueue_dma source(%arg8 : memref<128x64xf32, #tpu.memory_space<vmem>>) target(%dma_start3A_210 : memref<128x64xf32, #tpu.memory_space<hbm>>) target_semaphore(%arg16 : memref<!tpu.dma_semaphore, #tpu.memory_space<semaphore_mem>>)
      %add3A_211 = arith.constant 3 : i32
      %add3A_212 = arith.addi %mul3A_96, %add3A_211 : i32
      %mul3A_213 = arith.constant 128 : i32
      %mul3A_214 = arith.muli %add3A_212, %mul3A_213 : i32
      %add3A_215 = arith.constant 0 : i32
      %add3A_216 = arith.addi %add3A_215, %mul3A_214 : i32
      %dma_wait3A_217 = tpu.memref_slice %arg5[%add3A_216] : memref<6400xi32, #tpu.memory_space<vmem>> -> memref<128xi32, #tpu.memory_space<vmem>>
      %dma_wait3A_218 = arith.constant 0 : i32
      %dma_wait3A_219 = arith.constant 0 : i32
      %dma_wait3A_220 = tpu.memref_slice %arg2[%dma_wait3A_218, %dma_wait3A_219] : memref<20000x64xf32, #tpu.memory_space<hbm>> -> memref<20000x64xf32, #tpu.memory_space<hbm>>
      tpu.wait_indirect_dma semaphore(%arg13 : memref<!tpu.dma_semaphore, #tpu.memory_space<semaphore_mem>>) src(%dma_wait3A_220 : memref<20000x64xf32, #tpu.memory_space<hbm>>) dst(%arg9 : memref<128x64xf32, #tpu.memory_space<vmem>>)
      %add3A_221 = arith.constant 3 : i32
      %add3A_222 = arith.addi %mul3A_96, %add3A_221 : i32
      %add3A_223 = arith.addi %mul3A_2, %add3A_222 : i32
      %mul3A_224 = arith.constant 128 : i32
      %mul3A_225 = arith.muli %add3A_223, %mul3A_224 : i32
      %dma_start3A_226 = arith.constant 0 : i32
      %dma_start3A_227 = tpu.memref_slice %arg4[%mul3A_225, %dma_start3A_226] : memref<204800x64xf32, #tpu.memory_space<hbm>> -> memref<128x64xf32, #tpu.memory_space<hbm>>
      %dma_start3A_228 = arith.constant 0 : i32
      %dma_start3A_229 = tpu.memref_slice %arg4[%mul3A_225, %dma_start3A_228] : memref<204800x64xf32, #tpu.memory_space<hbm>> -> memref<128x64xf32, #tpu.memory_space<hbm>>
      tpu.enqueue_dma source(%arg9 : memref<128x64xf32, #tpu.memory_space<vmem>>) target(%dma_start3A_229 : memref<128x64xf32, #tpu.memory_space<hbm>>) target_semaphore(%arg17 : memref<!tpu.dma_semaphore, #tpu.memory_space<semaphore_mem>>)
      %scan3A_230 = arith.constant 0 : i32
      scf.yield %scan3A_230 : i32
    }
    %scan3A_10 = arith.constant 12 : i32
    %add3A_11 = arith.constant 0 : i32
    %add3A_12 = arith.addi %mul3A_2, %add3A_11 : i32
    %mul3A_13 = arith.constant 128 : i32
    %mul3A_14 = arith.muli %add3A_12, %mul3A_13 : i32
    %dma_wait3A = arith.constant 0 : i32
    %dma_wait3A_15 = tpu.memref_slice %arg4[%mul3A_14, %dma_wait3A] : memref<204800x64xf32, #tpu.memory_space<hbm>> -> memref<128x64xf32, #tpu.memory_space<hbm>>
    %dma_wait3A_16 = arith.constant 0 : i32
    %dma_wait3A_17 = tpu.memref_slice %arg4[%mul3A_14, %dma_wait3A_16] : memref<204800x64xf32, #tpu.memory_space<hbm>> -> memref<128x64xf32, #tpu.memory_space<hbm>>
    tpu.wait_dma2 semaphore(%arg14 : memref<!tpu.dma_semaphore, #tpu.memory_space<semaphore_mem>>) src(%arg6 : memref<128x64xf32, #tpu.memory_space<vmem>>) dst(%dma_wait3A_17 : memref<128x64xf32, #tpu.memory_space<hbm>>)
    %dma_start3A = arith.constant 6144 : i32
    %dma_start3A_18 = tpu.memref_slice %arg5[%dma_start3A] : memref<6400xi32, #tpu.memory_space<vmem>> -> memref<128xi32, #tpu.memory_space<vmem>>
    %dma_start3A_19 = arith.constant 0 : i32
    %dma_start3A_20 = arith.constant 0 : i32
    %dma_start3A_21 = tpu.memref_slice %arg2[%dma_start3A_19, %dma_start3A_20] : memref<20000x64xf32, #tpu.memory_space<hbm>> -> memref<20000x64xf32, #tpu.memory_space<hbm>>
    tpu.enqueue_indirect_dma source(%dma_start3A_21 : memref<20000x64xf32, #tpu.memory_space<hbm>>) target(%arg6 : memref<128x64xf32, #tpu.memory_space<vmem>>) offsets(%dma_start3A_18 : memref<128xi32, #tpu.memory_space<vmem>>) semaphore(%arg10 : memref<!tpu.dma_semaphore, #tpu.memory_space<semaphore_mem>>)
    %dma_wait3A_22 = arith.constant 6144 : i32
    %dma_wait3A_23 = tpu.memref_slice %arg5[%dma_wait3A_22] : memref<6400xi32, #tpu.memory_space<vmem>> -> memref<128xi32, #tpu.memory_space<vmem>>
    %dma_wait3A_24 = arith.constant 0 : i32
    %dma_wait3A_25 = arith.constant 0 : i32
    %dma_wait3A_26 = tpu.memref_slice %arg2[%dma_wait3A_24, %dma_wait3A_25] : memref<20000x64xf32, #tpu.memory_space<hbm>> -> memref<20000x64xf32, #tpu.memory_space<hbm>>
    tpu.wait_indirect_dma semaphore(%arg10 : memref<!tpu.dma_semaphore, #tpu.memory_space<semaphore_mem>>) src(%dma_wait3A_26 : memref<20000x64xf32, #tpu.memory_space<hbm>>) dst(%arg6 : memref<128x64xf32, #tpu.memory_space<vmem>>)
    %add3A_27 = arith.constant 48 : i32
    %add3A_28 = arith.addi %mul3A_2, %add3A_27 : i32
    %mul3A_29 = arith.constant 128 : i32
    %mul3A_30 = arith.muli %add3A_28, %mul3A_29 : i32
    %dma_start3A_31 = arith.constant 0 : i32
    %dma_start3A_32 = tpu.memref_slice %arg4[%mul3A_30, %dma_start3A_31] : memref<204800x64xf32, #tpu.memory_space<hbm>> -> memref<128x64xf32, #tpu.memory_space<hbm>>
    %dma_start3A_33 = arith.constant 0 : i32
    %dma_start3A_34 = tpu.memref_slice %arg4[%mul3A_30, %dma_start3A_33] : memref<204800x64xf32, #tpu.memory_space<hbm>> -> memref<128x64xf32, #tpu.memory_space<hbm>>
    tpu.enqueue_dma source(%arg6 : memref<128x64xf32, #tpu.memory_space<vmem>>) target(%dma_start3A_34 : memref<128x64xf32, #tpu.memory_space<hbm>>) target_semaphore(%arg14 : memref<!tpu.dma_semaphore, #tpu.memory_space<semaphore_mem>>)
    %add3A_35 = arith.constant 0 : i32
    %add3A_36 = arith.addi %mul3A_2, %add3A_35 : i32
    %mul3A_37 = arith.constant 128 : i32
    %mul3A_38 = arith.muli %add3A_36, %mul3A_37 : i32
    %dma_wait3A_39 = arith.constant 0 : i32
    %dma_wait3A_40 = tpu.memref_slice %arg4[%mul3A_38, %dma_wait3A_39] : memref<204800x64xf32, #tpu.memory_space<hbm>> -> memref<128x64xf32, #tpu.memory_space<hbm>>
    %dma_wait3A_41 = arith.constant 0 : i32
    %dma_wait3A_42 = tpu.memref_slice %arg4[%mul3A_38, %dma_wait3A_41] : memref<204800x64xf32, #tpu.memory_space<hbm>> -> memref<128x64xf32, #tpu.memory_space<hbm>>
    tpu.wait_dma2 semaphore(%arg15 : memref<!tpu.dma_semaphore, #tpu.memory_space<semaphore_mem>>) src(%arg7 : memref<128x64xf32, #tpu.memory_space<vmem>>) dst(%dma_wait3A_42 : memref<128x64xf32, #tpu.memory_space<hbm>>)
    %dma_start3A_43 = arith.constant 6272 : i32
    %dma_start3A_44 = tpu.memref_slice %arg5[%dma_start3A_43] : memref<6400xi32, #tpu.memory_space<vmem>> -> memref<128xi32, #tpu.memory_space<vmem>>
    %dma_start3A_45 = arith.constant 0 : i32
    %dma_start3A_46 = arith.constant 0 : i32
    %dma_start3A_47 = tpu.memref_slice %arg2[%dma_start3A_45, %dma_start3A_46] : memref<20000x64xf32, #tpu.memory_space<hbm>> -> memref<20000x64xf32, #tpu.memory_space<hbm>>
    tpu.enqueue_indirect_dma source(%dma_start3A_47 : memref<20000x64xf32, #tpu.memory_space<hbm>>) target(%arg7 : memref<128x64xf32, #tpu.memory_space<vmem>>) offsets(%dma_start3A_44 : memref<128xi32, #tpu.memory_space<vmem>>) semaphore(%arg11 : memref<!tpu.dma_semaphore, #tpu.memory_space<semaphore_mem>>)
    %dma_wait3A_48 = arith.constant 6272 : i32
    %dma_wait3A_49 = tpu.memref_slice %arg5[%dma_wait3A_48] : memref<6400xi32, #tpu.memory_space<vmem>> -> memref<128xi32, #tpu.memory_space<vmem>>
    %dma_wait3A_50 = arith.constant 0 : i32
    %dma_wait3A_51 = arith.constant 0 : i32
    %dma_wait3A_52 = tpu.memref_slice %arg2[%dma_wait3A_50, %dma_wait3A_51] : memref<20000x64xf32, #tpu.memory_space<hbm>> -> memref<20000x64xf32, #tpu.memory_space<hbm>>
    tpu.wait_indirect_dma semaphore(%arg11 : memref<!tpu.dma_semaphore, #tpu.memory_space<semaphore_mem>>) src(%dma_wait3A_52 : memref<20000x64xf32, #tpu.memory_space<hbm>>) dst(%arg7 : memref<128x64xf32, #tpu.memory_space<vmem>>)
    %add3A_53 = arith.constant 49 : i32
    %add3A_54 = arith.addi %mul3A_2, %add3A_53 : i32
    %mul3A_55 = arith.constant 128 : i32
    %mul3A_56 = arith.muli %add3A_54, %mul3A_55 : i32
    %dma_start3A_57 = arith.constant 0 : i32
    %dma_start3A_58 = tpu.memref_slice %arg4[%mul3A_56, %dma_start3A_57] : memref<204800x64xf32, #tpu.memory_space<hbm>> -> memref<128x64xf32, #tpu.memory_space<hbm>>
    %dma_start3A_59 = arith.constant 0 : i32
    %dma_start3A_60 = tpu.memref_slice %arg4[%mul3A_56, %dma_start3A_59] : memref<204800x64xf32, #tpu.memory_space<hbm>> -> memref<128x64xf32, #tpu.memory_space<hbm>>
    tpu.enqueue_dma source(%arg7 : memref<128x64xf32, #tpu.memory_space<vmem>>) target(%dma_start3A_60 : memref<128x64xf32, #tpu.memory_space<hbm>>) target_semaphore(%arg15 : memref<!tpu.dma_semaphore, #tpu.memory_space<semaphore_mem>>)
    %add3A_61 = arith.constant 0 : i32
    %add3A_62 = arith.addi %mul3A_2, %add3A_61 : i32
    %mul3A_63 = arith.constant 128 : i32
    %mul3A_64 = arith.muli %add3A_62, %mul3A_63 : i32
    %dma_wait3A_65 = arith.constant 0 : i32
    %dma_wait3A_66 = tpu.memref_slice %arg4[%mul3A_64, %dma_wait3A_65] : memref<204800x64xf32, #tpu.memory_space<hbm>> -> memref<128x64xf32, #tpu.memory_space<hbm>>
    %dma_wait3A_67 = arith.constant 0 : i32
    %dma_wait3A_68 = tpu.memref_slice %arg4[%mul3A_64, %dma_wait3A_67] : memref<204800x64xf32, #tpu.memory_space<hbm>> -> memref<128x64xf32, #tpu.memory_space<hbm>>
    tpu.wait_dma2 semaphore(%arg14 : memref<!tpu.dma_semaphore, #tpu.memory_space<semaphore_mem>>) src(%arg6 : memref<128x64xf32, #tpu.memory_space<vmem>>) dst(%dma_wait3A_68 : memref<128x64xf32, #tpu.memory_space<hbm>>)
    %add3A_69 = arith.constant 0 : i32
    %add3A_70 = arith.addi %mul3A_2, %add3A_69 : i32
    %mul3A_71 = arith.constant 128 : i32
    %mul3A_72 = arith.muli %add3A_70, %mul3A_71 : i32
    %dma_wait3A_73 = arith.constant 0 : i32
    %dma_wait3A_74 = tpu.memref_slice %arg4[%mul3A_72, %dma_wait3A_73] : memref<204800x64xf32, #tpu.memory_space<hbm>> -> memref<128x64xf32, #tpu.memory_space<hbm>>
    %dma_wait3A_75 = arith.constant 0 : i32
    %dma_wait3A_76 = tpu.memref_slice %arg4[%mul3A_72, %dma_wait3A_75] : memref<204800x64xf32, #tpu.memory_space<hbm>> -> memref<128x64xf32, #tpu.memory_space<hbm>>
    tpu.wait_dma2 semaphore(%arg15 : memref<!tpu.dma_semaphore, #tpu.memory_space<semaphore_mem>>) src(%arg7 : memref<128x64xf32, #tpu.memory_space<vmem>>) dst(%dma_wait3A_76 : memref<128x64xf32, #tpu.memory_space<hbm>>)
    %add3A_77 = arith.constant 0 : i32
    %add3A_78 = arith.addi %mul3A_2, %add3A_77 : i32
    %mul3A_79 = arith.constant 128 : i32
    %mul3A_80 = arith.muli %add3A_78, %mul3A_79 : i32
    %dma_wait3A_81 = arith.constant 0 : i32
    %dma_wait3A_82 = tpu.memref_slice %arg4[%mul3A_80, %dma_wait3A_81] : memref<204800x64xf32, #tpu.memory_space<hbm>> -> memref<128x64xf32, #tpu.memory_space<hbm>>
    %dma_wait3A_83 = arith.constant 0 : i32
    %dma_wait3A_84 = tpu.memref_slice %arg4[%mul3A_80, %dma_wait3A_83] : memref<204800x64xf32, #tpu.memory_space<hbm>> -> memref<128x64xf32, #tpu.memory_space<hbm>>
    tpu.wait_dma2 semaphore(%arg16 : memref<!tpu.dma_semaphore, #tpu.memory_space<semaphore_mem>>) src(%arg8 : memref<128x64xf32, #tpu.memory_space<vmem>>) dst(%dma_wait3A_84 : memref<128x64xf32, #tpu.memory_space<hbm>>)
    %add3A_85 = arith.constant 0 : i32
    %add3A_86 = arith.addi %mul3A_2, %add3A_85 : i32
    %mul3A_87 = arith.constant 128 : i32
    %mul3A_88 = arith.muli %add3A_86, %mul3A_87 : i32
    %dma_wait3A_89 = arith.constant 0 : i32
    %dma_wait3A_90 = tpu.memref_slice %arg4[%mul3A_88, %dma_wait3A_89] : memref<204800x64xf32, #tpu.memory_space<hbm>> -> memref<128x64xf32, #tpu.memory_space<hbm>>
    %dma_wait3A_91 = arith.constant 0 : i32
    %dma_wait3A_92 = tpu.memref_slice %arg4[%mul3A_88, %dma_wait3A_91] : memref<204800x64xf32, #tpu.memory_space<hbm>> -> memref<128x64xf32, #tpu.memory_space<hbm>>
    tpu.wait_dma2 semaphore(%arg17 : memref<!tpu.dma_semaphore, #tpu.memory_space<semaphore_mem>>) src(%arg9 : memref<128x64xf32, #tpu.memory_space<vmem>>) dst(%dma_wait3A_92 : memref<128x64xf32, #tpu.memory_space<hbm>>)
    return
  }
}

module attributes {stable_mosaic.version = 14 : i64} {
  func.func @_mlp_body(%arg0: i32, %arg1: memref<512x256xf32, #tpu.memory_space<vmem>>, %arg2: memref<512x3200xf32, #tpu.memory_space<vmem>>, %arg3: memref<512x1280xf32, #tpu.memory_space<vmem>>, %arg4: memref<256x512xbf16, #tpu.memory_space<vmem>>, %arg5: memref<3200x512xbf16, #tpu.memory_space<vmem>>, %arg6: memref<1280x512xbf16, #tpu.memory_space<vmem>>, %arg7: memref<1x512xf32, #tpu.memory_space<vmem>>, %arg8: memref<1x512xf32, #tpu.memory_space<vmem>>, %arg9: memref<1x512xf32, #tpu.memory_space<vmem>>, %arg10: memref<512x256xf32, #tpu.memory_space<vmem>>, %arg11: memref<1x256xf32, #tpu.memory_space<vmem>>, %arg12: memref<1x256xf32, #tpu.memory_space<vmem>>, %arg13: memref<1x256xf32, #tpu.memory_space<vmem>>, %arg14: memref<1x256xf32, #tpu.memory_space<vmem>>, %arg15: memref<1x1xf32, #tpu.memory_space<vmem>>, %arg16: memref<4096x1xf32, #tpu.memory_space<vmem>>, %arg17: memref<4096x512xf32, #tpu.memory_space<vmem>>, %arg18: memref<1x512xf32, #tpu.memory_space<vmem>>, %arg19: memref<1x512xf32, #tpu.memory_space<vmem>>) attributes {dimension_semantics = [#tpu.dimension_semantics<arbitrary>], iteration_bounds = array<i64: 8>, scalar_prefetch = 0 : i64, scratch_operands = 3 : i64, tpu.core_type = #tpu.core_type<tc>, window_params = [{transform_indices = @transform_0, window_bounds = array<i64: 512, 256>}, {transform_indices = @transform_1, window_bounds = array<i64: 512, 3200>}, {transform_indices = @transform_2, window_bounds = array<i64: 512, 1280>}, {pipeline_mode = #tpu.pipeline_mode<synchronous>, transform_indices = @transform_3, window_bounds = array<i64: 256, 512>}, {pipeline_mode = #tpu.pipeline_mode<synchronous>, transform_indices = @transform_4, window_bounds = array<i64: 3200, 512>}, {pipeline_mode = #tpu.pipeline_mode<synchronous>, transform_indices = @transform_5, window_bounds = array<i64: 1280, 512>}, {pipeline_mode = #tpu.pipeline_mode<synchronous>, transform_indices = @transform_6, window_bounds = array<i64: 1, 512>}, {pipeline_mode = #tpu.pipeline_mode<synchronous>, transform_indices = @transform_7, window_bounds = array<i64: 1, 512>}, {pipeline_mode = #tpu.pipeline_mode<synchronous>, transform_indices = @transform_8, window_bounds = array<i64: 1, 512>}, {pipeline_mode = #tpu.pipeline_mode<synchronous>, transform_indices = @transform_9, window_bounds = array<i64: 512, 256>}, {pipeline_mode = #tpu.pipeline_mode<synchronous>, transform_indices = @transform_10, window_bounds = array<i64: 1, 256>}, {pipeline_mode = #tpu.pipeline_mode<synchronous>, transform_indices = @transform_11, window_bounds = array<i64: 1, 256>}, {pipeline_mode = #tpu.pipeline_mode<synchronous>, transform_indices = @transform_12, window_bounds = array<i64: 1, 256>}, {pipeline_mode = #tpu.pipeline_mode<synchronous>, transform_indices = @transform_13, window_bounds = array<i64: 1, 256>}, {pipeline_mode = #tpu.pipeline_mode<synchronous>, transform_indices = @transform_14, window_bounds = array<i64: 1, 1>}, {pipeline_mode = #tpu.pipeline_mode<synchronous>, transform_indices = @transform_15, window_bounds = array<i64: 4096, 1>}]} {
    %get3A = arith.constant 0 : index
    %get3A_0 = arith.constant 0 : index
    %get3A_1 = vector.load %arg2[%get3A, %get3A_0] : memref<512x3200xf32, #tpu.memory_space<vmem>>, vector<512x3200xf32>
    %convert_element_type3A = arith.truncf %get3A_1 : vector<512x3200xf32> to vector<512x3200xbf16>
    %get3A_2 = arith.constant 0 : index
    %get3A_3 = arith.constant 0 : index
    %get3A_4 = vector.load %arg5[%get3A_2, %get3A_3] : memref<3200x512xbf16, #tpu.memory_space<vmem>>, vector<3200x512xbf16>
    %dot_general3A = arith.constant dense<0.000000e+00> : vector<512x512xf32>
    %dot_general3A_5 = tpu.matmul %convert_element_type3A, %get3A_4, %dot_general3A {dimension_numbers = #tpu.dot_dimension_numbers<[1], [0], [0], [1], [0, 0, 1, 1], [], []>, transpose_lhs_hint = false} : vector<512x3200xbf16>, vector<3200x512xbf16>, vector<512x512xf32> -> vector<512x512xf32>
    %get3A_6 = arith.constant 0 : index
    %get3A_7 = arith.constant 0 : index
    %get3A_8 = vector.load %arg3[%get3A_6, %get3A_7] : memref<512x1280xf32, #tpu.memory_space<vmem>>, vector<512x1280xf32>
    %convert_element_type3A_9 = arith.truncf %get3A_8 : vector<512x1280xf32> to vector<512x1280xbf16>
    %get3A_10 = arith.constant 0 : index
    %get3A_11 = arith.constant 0 : index
    %get3A_12 = vector.load %arg6[%get3A_10, %get3A_11] : memref<1280x512xbf16, #tpu.memory_space<vmem>>, vector<1280x512xbf16>
    %dot_general3A_13 = arith.constant dense<0.000000e+00> : vector<512x512xf32>
    %dot_general3A_14 = tpu.matmul %convert_element_type3A_9, %get3A_12, %dot_general3A_13 {dimension_numbers = #tpu.dot_dimension_numbers<[1], [0], [0], [1], [0, 0, 1, 1], [], []>, transpose_lhs_hint = false} : vector<512x1280xbf16>, vector<1280x512xbf16>, vector<512x512xf32> -> vector<512x512xf32>
    %add3A = arith.addf %dot_general3A_5, %dot_general3A_14 : vector<512x512xf32>
    %get3A_15 = arith.constant 0 : index
    %get3A_16 = arith.constant 0 : index
    %get3A_17 = vector.load %arg1[%get3A_15, %get3A_16] : memref<512x256xf32, #tpu.memory_space<vmem>>, vector<512x256xf32>
    %convert_element_type3A_18 = arith.truncf %get3A_17 : vector<512x256xf32> to vector<512x256xbf16>
    %get3A_19 = arith.constant 0 : index
    %get3A_20 = arith.constant 0 : index
    %get3A_21 = vector.load %arg4[%get3A_19, %get3A_20] : memref<256x512xbf16, #tpu.memory_space<vmem>>, vector<256x512xbf16>
    %dot_general3A_22 = arith.constant dense<0.000000e+00> : vector<512x512xf32>
    %dot_general3A_23 = tpu.matmul %convert_element_type3A_18, %get3A_21, %dot_general3A_22 {dimension_numbers = #tpu.dot_dimension_numbers<[1], [0], [0], [1], [0, 0, 1, 1], [], []>, transpose_lhs_hint = false} : vector<512x256xbf16>, vector<256x512xbf16>, vector<512x512xf32> -> vector<512x512xf32>
    %add3A_24 = arith.addf %add3A, %dot_general3A_23 : vector<512x512xf32>
    %get3A_25 = arith.constant 0 : index
    %get3A_26 = arith.constant 0 : index
    %get3A_27 = vector.load %arg7[%get3A_25, %get3A_26] : memref<1x512xf32, #tpu.memory_space<vmem>>, vector<1x512xf32>
    %add3A_28 = vector.broadcast %get3A_27 : vector<1x512xf32> to vector<512x512xf32>
    %add3A_29 = arith.addf %add3A_24, %add3A_28 : vector<512x512xf32>
    %max3A = arith.constant 0.000000e+00 : f32
    %max3A_30 = vector.broadcast %max3A : f32 to vector<512x512xf32>
    %max3A_31 = arith.maximumf %add3A_29, %max3A_30 : vector<512x512xf32>
    %mul3A = arith.constant 512 : i32
    %mul3A_32 = arith.muli %arg0, %mul3A : i32
    %swap3A = arith.index_cast %mul3A_32 : i32 to index
    %swap3A_33 = arith.constant 0 : index
    %swap3A_34 = vector.load %arg17[%swap3A, %swap3A_33] : memref<4096x512xf32, #tpu.memory_space<vmem>>, vector<512x512xf32>
    tpu.vector_store %arg17[%swap3A, %swap3A_33], %max3A_31 {strides = array<i32>} : memref<4096x512xf32, #tpu.memory_space<vmem>>, vector<512x512xf32>,
    %reduce_sum3A = arith.constant dense<0.000000e+00> : vector<512xf32>
    %reduce_sum3A_35 = vector.multi_reduction <add>, %max3A_31, %reduce_sum3A [0] : vector<512x512xf32> to vector<512xf32>
    %broadcast_in_dim3A = vector.shape_cast %reduce_sum3A_35 : vector<512xf32> to vector<1x512xf32>
    %mul3A_36 = arith.mulf %max3A_31, %max3A_31 : vector<512x512xf32>
    %reduce_sum3A_37 = arith.constant dense<0.000000e+00> : vector<512xf32>
    %reduce_sum3A_38 = vector.multi_reduction <add>, %mul3A_36, %reduce_sum3A_37 [0] : vector<512x512xf32> to vector<512xf32>
    %broadcast_in_dim3A_39 = vector.shape_cast %reduce_sum3A_38 : vector<512xf32> to vector<1x512xf32>
    %eq3A = arith.constant 0 : i32
    %eq3A_40 = arith.cmpi eq, %arg0, %eq3A : i32
    %convert_element_type3A_41 = arith.extui %eq3A_40 : i1 to i32
    %cond3A = arith.constant 0 : i32
    %cond3A_42 = arith.cmpi ne, %convert_element_type3A_41, %cond3A : i32
    scf.if %cond3A_42 {
      %swap3A_52 = arith.constant 0 : index
      %swap3A_53 = arith.constant 0 : index
      %swap3A_54 = vector.load %arg18[%swap3A_52, %swap3A_53] : memref<1x512xf32, #tpu.memory_space<vmem>>, vector<1x512xf32>
      tpu.vector_store %arg18[%swap3A_52, %swap3A_53], %broadcast_in_dim3A {strides = array<i32>} : memref<1x512xf32, #tpu.memory_space<vmem>>, vector<1x512xf32>,
      %swap3A_55 = arith.constant 0 : index
      %swap3A_56 = arith.constant 0 : index
      %swap3A_57 = vector.load %arg19[%swap3A_55, %swap3A_56] : memref<1x512xf32, #tpu.memory_space<vmem>>, vector<1x512xf32>
      tpu.vector_store %arg19[%swap3A_55, %swap3A_56], %broadcast_in_dim3A_39 {strides = array<i32>} : memref<1x512xf32, #tpu.memory_space<vmem>>, vector<1x512xf32>,
    } else {
    }
    %gt3A = arith.constant 0 : i32
    %gt3A_43 = arith.cmpi sgt, %arg0, %gt3A : i32
    %convert_element_type3A_44 = arith.extui %gt3A_43 : i1 to i32
    %cond3A_45 = arith.constant 0 : i32
    %cond3A_46 = arith.cmpi ne, %convert_element_type3A_44, %cond3A_45 : i32
    scf.if %cond3A_46 {
      %get3A_52 = arith.constant 0 : index
      %get3A_53 = arith.constant 0 : index
      %get3A_54 = vector.load %arg18[%get3A_52, %get3A_53] : memref<1x512xf32, #tpu.memory_space<vmem>>, vector<1x512xf32>
      %add3A_55 = arith.addf %get3A_54, %broadcast_in_dim3A : vector<1x512xf32>
      %swap3A_56 = arith.constant 0 : index
      %swap3A_57 = arith.constant 0 : index
      %swap3A_58 = vector.load %arg18[%swap3A_56, %swap3A_57] : memref<1x512xf32, #tpu.memory_space<vmem>>, vector<1x512xf32>
      tpu.vector_store %arg18[%swap3A_56, %swap3A_57], %add3A_55 {strides = array<i32>} : memref<1x512xf32, #tpu.memory_space<vmem>>, vector<1x512xf32>,
      %get3A_59 = arith.constant 0 : index
      %get3A_60 = arith.constant 0 : index
      %get3A_61 = vector.load %arg19[%get3A_59, %get3A_60] : memref<1x512xf32, #tpu.memory_space<vmem>>, vector<1x512xf32>
      %add3A_62 = arith.addf %get3A_61, %broadcast_in_dim3A_39 : vector<1x512xf32>
      %swap3A_63 = arith.constant 0 : index
      %swap3A_64 = arith.constant 0 : index
      %swap3A_65 = vector.load %arg19[%swap3A_63, %swap3A_64] : memref<1x512xf32, #tpu.memory_space<vmem>>, vector<1x512xf32>
      tpu.vector_store %arg19[%swap3A_63, %swap3A_64], %add3A_62 {strides = array<i32>} : memref<1x512xf32, #tpu.memory_space<vmem>>, vector<1x512xf32>,
    } else {
    }
    %eq3A_47 = arith.constant 7 : i32
    %eq3A_48 = arith.cmpi eq, %arg0, %eq3A_47 : i32
    %convert_element_type3A_49 = arith.extui %eq3A_48 : i1 to i32
    %cond3A_50 = arith.constant 0 : i32
    %cond3A_51 = arith.cmpi ne, %convert_element_type3A_49, %cond3A_50 : i32
    scf.if %cond3A_51 {
      %get3A_52 = arith.constant 0 : index
      %get3A_53 = arith.constant 0 : index
      %get3A_54 = vector.load %arg18[%get3A_52, %get3A_53] : memref<1x512xf32, #tpu.memory_space<vmem>>, vector<1x512xf32>
      %mul3A_55 = arith.constant 2.44140625E-4 : f32
      %mul3A_56 = vector.broadcast %mul3A_55 : f32 to vector<1x512xf32>
      %mul3A_57 = arith.mulf %get3A_54, %mul3A_56 : vector<1x512xf32>
      %get3A_58 = arith.constant 0 : index
      %get3A_59 = arith.constant 0 : index
      %get3A_60 = vector.load %arg19[%get3A_58, %get3A_59] : memref<1x512xf32, #tpu.memory_space<vmem>>, vector<1x512xf32>
      %mul3A_61 = arith.constant 2.44140625E-4 : f32
      %mul3A_62 = vector.broadcast %mul3A_61 : f32 to vector<1x512xf32>
      %mul3A_63 = arith.mulf %get3A_60, %mul3A_62 : vector<1x512xf32>
      %mul3A_64 = arith.mulf %mul3A_57, %mul3A_57 : vector<1x512xf32>
      %sub3A = arith.subf %mul3A_63, %mul3A_64 : vector<1x512xf32>
      %get3A_65 = arith.constant 0 : index
      %get3A_66 = arith.constant 0 : index
      %get3A_67 = vector.load %arg8[%get3A_65, %get3A_66] : memref<1x512xf32, #tpu.memory_space<vmem>>, vector<1x512xf32>
      %add3A_68 = arith.constant 9.99999974E-6 : f32
      %add3A_69 = vector.broadcast %add3A_68 : f32 to vector<1x512xf32>
      %add3A_70 = arith.addf %sub3A, %add3A_69 : vector<1x512xf32>
      %rsqrt3A = math.rsqrt %add3A_70 : vector<1x512xf32>
      %mul3A_71 = arith.mulf %get3A_67, %rsqrt3A : vector<1x512xf32>
      %get3A_72 = arith.constant 0 : index
      %get3A_73 = arith.constant 0 : index
      %get3A_74 = vector.load %arg9[%get3A_72, %get3A_73] : memref<1x512xf32, #tpu.memory_space<vmem>>, vector<1x512xf32>
      %mul3A_75 = arith.mulf %mul3A_57, %mul3A_71 : vector<1x512xf32>
      %sub3A_76 = arith.subf %get3A_74, %mul3A_75 : vector<1x512xf32>
      %get3A_77 = arith.constant 0 : index
      %get3A_78 = arith.constant 0 : index
      %get3A_79 = vector.load %arg17[%get3A_77, %get3A_78] : memref<4096x512xf32, #tpu.memory_space<vmem>>, vector<4096x512xf32>
      %mul3A_80 = vector.broadcast %mul3A_71 : vector<1x512xf32> to vector<4096x512xf32>
      %mul3A_81 = arith.mulf %get3A_79, %mul3A_80 : vector<4096x512xf32>
      %add3A_82 = vector.broadcast %sub3A_76 : vector<1x512xf32> to vector<4096x512xf32>
      %add3A_83 = arith.addf %mul3A_81, %add3A_82 : vector<4096x512xf32>
      %get3A_84 = arith.constant 0 : index
      %get3A_85 = arith.constant 0 : index
      %get3A_86 = vector.load %arg10[%get3A_84, %get3A_85] : memref<512x256xf32, #tpu.memory_space<vmem>>, vector<512x256xf32>
      %dot_general3A_87 = arith.constant dense<0.000000e+00> : vector<4096x256xf32>
      %dot_general3A_88 = tpu.matmul %add3A_83, %get3A_86, %dot_general3A_87 {dimension_numbers = #tpu.dot_dimension_numbers<[1], [0], [0], [1], [0, 0, 1, 1], [], []>, transpose_lhs_hint = false} : vector<4096x512xf32>, vector<512x256xf32>, vector<4096x256xf32> -> vector<4096x256xf32>
      %get3A_89 = arith.constant 0 : index
      %get3A_90 = arith.constant 0 : index
      %get3A_91 = vector.load %arg11[%get3A_89, %get3A_90] : memref<1x256xf32, #tpu.memory_space<vmem>>, vector<1x256xf32>
      %add3A_92 = vector.broadcast %get3A_91 : vector<1x256xf32> to vector<4096x256xf32>
      %add3A_93 = arith.addf %dot_general3A_88, %add3A_92 : vector<4096x256xf32>
      %max3A_94 = arith.constant 0.000000e+00 : f32
      %max3A_95 = vector.broadcast %max3A_94 : f32 to vector<4096x256xf32>
      %max3A_96 = arith.maximumf %add3A_93, %max3A_95 : vector<4096x256xf32>
      %reduce_sum3A_97 = arith.constant dense<0.000000e+00> : vector<256xf32>
      %reduce_sum3A_98 = vector.multi_reduction <add>, %max3A_96, %reduce_sum3A_97 [0] : vector<4096x256xf32> to vector<256xf32>
      %broadcast_in_dim3A_99 = vector.shape_cast %reduce_sum3A_98 : vector<256xf32> to vector<1x256xf32>
      %mul3A_100 = arith.constant 2.44140625E-4 : f32
      %mul3A_101 = vector.broadcast %mul3A_100 : f32 to vector<1x256xf32>
      %mul3A_102 = arith.mulf %broadcast_in_dim3A_99, %mul3A_101 : vector<1x256xf32>
      %mul3A_103 = arith.mulf %max3A_96, %max3A_96 : vector<4096x256xf32>
      %reduce_sum3A_104 = arith.constant dense<0.000000e+00> : vector<256xf32>
      %reduce_sum3A_105 = vector.multi_reduction <add>, %mul3A_103, %reduce_sum3A_104 [0] : vector<4096x256xf32> to vector<256xf32>
      %broadcast_in_dim3A_106 = vector.shape_cast %reduce_sum3A_105 : vector<256xf32> to vector<1x256xf32>
      %mul3A_107 = arith.constant 2.44140625E-4 : f32
      %mul3A_108 = vector.broadcast %mul3A_107 : f32 to vector<1x256xf32>
      %mul3A_109 = arith.mulf %broadcast_in_dim3A_106, %mul3A_108 : vector<1x256xf32>
      %mul3A_110 = arith.mulf %mul3A_102, %mul3A_102 : vector<1x256xf32>
      %sub3A_111 = arith.subf %mul3A_109, %mul3A_110 : vector<1x256xf32>
      %get3A_112 = arith.constant 0 : index
      %get3A_113 = arith.constant 0 : index
      %get3A_114 = vector.load %arg12[%get3A_112, %get3A_113] : memref<1x256xf32, #tpu.memory_space<vmem>>, vector<1x256xf32>
      %add3A_115 = arith.constant 9.99999974E-6 : f32
      %add3A_116 = vector.broadcast %add3A_115 : f32 to vector<1x256xf32>
      %add3A_117 = arith.addf %sub3A_111, %add3A_116 : vector<1x256xf32>
      %rsqrt3A_118 = math.rsqrt %add3A_117 : vector<1x256xf32>
      %mul3A_119 = arith.mulf %get3A_114, %rsqrt3A_118 : vector<1x256xf32>
      %get3A_120 = arith.constant 0 : index
      %get3A_121 = arith.constant 0 : index
      %get3A_122 = vector.load %arg13[%get3A_120, %get3A_121] : memref<1x256xf32, #tpu.memory_space<vmem>>, vector<1x256xf32>
      %mul3A_123 = arith.mulf %mul3A_102, %mul3A_119 : vector<1x256xf32>
      %sub3A_124 = arith.subf %get3A_122, %mul3A_123 : vector<1x256xf32>
      %mul3A_125 = vector.broadcast %mul3A_119 : vector<1x256xf32> to vector<4096x256xf32>
      %mul3A_126 = arith.mulf %max3A_96, %mul3A_125 : vector<4096x256xf32>
      %add3A_127 = vector.broadcast %sub3A_124 : vector<1x256xf32> to vector<4096x256xf32>
      %add3A_128 = arith.addf %mul3A_126, %add3A_127 : vector<4096x256xf32>
      %get3A_129 = arith.constant 0 : index
      %get3A_130 = arith.constant 0 : index
      %get3A_131 = vector.load %arg14[%get3A_129, %get3A_130] : memref<1x256xf32, #tpu.memory_space<vmem>>, vector<1x256xf32>
      %mul3A_132 = vector.broadcast %get3A_131 : vector<1x256xf32> to vector<4096x256xf32>
      %mul3A_133 = arith.mulf %add3A_128, %mul3A_132 : vector<4096x256xf32>
      %reduce_sum3A_134 = arith.constant dense<0.000000e+00> : vector<4096xf32>
      %reduce_sum3A_135 = vector.multi_reduction <add>, %mul3A_133, %reduce_sum3A_134 [1] : vector<4096x256xf32> to vector<4096xf32>
      %broadcast_in_dim3A_136 = vector.shape_cast %reduce_sum3A_135 : vector<4096xf32> to vector<4096x1xf32>
      %get3A_137 = arith.constant 0 : index
      %get3A_138 = arith.constant 0 : index
      %get3A_139 = vector.load %arg15[%get3A_137, %get3A_138] : memref<1x1xf32, #tpu.memory_space<vmem>>, vector<1x1xf32>
      %add3A_140 = vector.broadcast %get3A_139 : vector<1x1xf32> to vector<4096x1xf32>
      %add3A_141 = arith.addf %broadcast_in_dim3A_136, %add3A_140 : vector<4096x1xf32>
      %swap3A_142 = arith.constant 0 : index
      %swap3A_143 = arith.constant 0 : index
      %swap3A_144 = vector.load %arg16[%swap3A_142, %swap3A_143] : memref<4096x1xf32, #tpu.memory_space<vmem>>, vector<4096x1xf32>
      tpu.vector_store %arg16[%swap3A_142, %swap3A_143], %add3A_141 {strides = array<i32>} : memref<4096x1xf32, #tpu.memory_space<vmem>>, vector<4096x1xf32>,
    } else {
    }
    return
  }
  func.func @transform_0(%arg0: i32) -> (i32, i32) {
    %c0_i32 = arith.constant 0 : i32
    %c0_i32_0 = arith.constant 0 : i32
    return %arg0, %c0_i32 : i32, i32
  }
  func.func @transform_1(%arg0: i32) -> (i32, i32) {
    %c0_i32 = arith.constant 0 : i32
    %c0_i32_0 = arith.constant 0 : i32
    return %arg0, %c0_i32 : i32, i32
  }
  func.func @transform_2(%arg0: i32) -> (i32, i32) {
    %c0_i32 = arith.constant 0 : i32
    %c0_i32_0 = arith.constant 0 : i32
    return %arg0, %c0_i32 : i32, i32
  }
  func.func @transform_3(%arg0: i32) -> (i32, i32) {
    %c0_i32 = arith.constant 0 : i32
    %c0_i32_0 = arith.constant 0 : i32
    %c0_i32_1 = arith.constant 0 : i32
    return %c0_i32, %c0_i32_0 : i32, i32
  }
  func.func @transform_4(%arg0: i32) -> (i32, i32) {
    %c0_i32 = arith.constant 0 : i32
    %c0_i32_0 = arith.constant 0 : i32
    %c0_i32_1 = arith.constant 0 : i32
    return %c0_i32, %c0_i32_0 : i32, i32
  }
  func.func @transform_5(%arg0: i32) -> (i32, i32) {
    %c0_i32 = arith.constant 0 : i32
    %c0_i32_0 = arith.constant 0 : i32
    %c0_i32_1 = arith.constant 0 : i32
    return %c0_i32, %c0_i32_0 : i32, i32
  }
  func.func @transform_6(%arg0: i32) -> (i32, i32) {
    %c0_i32 = arith.constant 0 : i32
    %c0_i32_0 = arith.constant 0 : i32
    %c0_i32_1 = arith.constant 0 : i32
    return %c0_i32, %c0_i32_0 : i32, i32
  }
  func.func @transform_7(%arg0: i32) -> (i32, i32) {
    %c0_i32 = arith.constant 0 : i32
    %c0_i32_0 = arith.constant 0 : i32
    %c0_i32_1 = arith.constant 0 : i32
    return %c0_i32, %c0_i32_0 : i32, i32
  }
  func.func @transform_8(%arg0: i32) -> (i32, i32) {
    %c0_i32 = arith.constant 0 : i32
    %c0_i32_0 = arith.constant 0 : i32
    %c0_i32_1 = arith.constant 0 : i32
    return %c0_i32, %c0_i32_0 : i32, i32
  }
  func.func @transform_9(%arg0: i32) -> (i32, i32) {
    %c0_i32 = arith.constant 0 : i32
    %c0_i32_0 = arith.constant 0 : i32
    %c0_i32_1 = arith.constant 0 : i32
    return %c0_i32, %c0_i32_0 : i32, i32
  }
  func.func @transform_10(%arg0: i32) -> (i32, i32) {
    %c0_i32 = arith.constant 0 : i32
    %c0_i32_0 = arith.constant 0 : i32
    %c0_i32_1 = arith.constant 0 : i32
    return %c0_i32, %c0_i32_0 : i32, i32
  }
  func.func @transform_11(%arg0: i32) -> (i32, i32) {
    %c0_i32 = arith.constant 0 : i32
    %c0_i32_0 = arith.constant 0 : i32
    %c0_i32_1 = arith.constant 0 : i32
    return %c0_i32, %c0_i32_0 : i32, i32
  }
  func.func @transform_12(%arg0: i32) -> (i32, i32) {
    %c0_i32 = arith.constant 0 : i32
    %c0_i32_0 = arith.constant 0 : i32
    %c0_i32_1 = arith.constant 0 : i32
    return %c0_i32, %c0_i32_0 : i32, i32
  }
  func.func @transform_13(%arg0: i32) -> (i32, i32) {
    %c0_i32 = arith.constant 0 : i32
    %c0_i32_0 = arith.constant 0 : i32
    %c0_i32_1 = arith.constant 0 : i32
    return %c0_i32, %c0_i32_0 : i32, i32
  }
  func.func @transform_14(%arg0: i32) -> (i32, i32) {
    %c0_i32 = arith.constant 0 : i32
    %c0_i32_0 = arith.constant 0 : i32
    %c0_i32_1 = arith.constant 0 : i32
    return %c0_i32, %c0_i32_0 : i32, i32
  }
  func.func @transform_15(%arg0: i32) -> (i32, i32) {
    %c0_i32 = arith.constant 0 : i32
    %c0_i32_0 = arith.constant 0 : i32
    %c0_i32_1 = arith.constant 0 : i32
    return %c0_i32, %c0_i32_0 : i32, i32
  }
}

</mosaic_0001>

<sc_bundles>
// kernel: kernel.5.cloned.1.call-start
scs
__scs_entry_jumppad:
0x0: {  	(pc) =	sbr.rel $0x88, $3  }
0x1: {  	(tag) =	ssettag $0x0;
	lr =	simm.s32 $0x1  }
0x2: {  	[smem:$0x3F8D] =	sst lr;
	_ =	strace $0xD0000000  }
0x3: {  	_ = 	snop  }
0x4: {  	_ = 	snop  }
0x5: {  	_ = 	snop  }
0x6: {  	_ = 	snop  }
0x7: {  	_ = 	snop  }
__scs_overlays_trampoline_lowered:
0x8: {  	[smem:$0x3F9C] =	sst s0  }
0x9: {  	[smem:$0x3F9D] =	sst s1  }
0xa: {  	[smem:$0x3F9E] =	sst s2  }
0xb: {  	[smem:$0x3F9F] =	sst s3  }
0xc: {  	[smem:$0x3FA0] =	sst s4  }
0xd: {  	[smem:$0x3FA1] =	sst s5  }
0xe: {  	[smem:$0x3FA2] =	sst s6  }
0xf: {  	[smem:$0x3FA3] =	sst s7  }
0x10: {  	[smem:$0x3FA4] =	sst s8  }
0x11: {  	[smem:$0x3FA5] =	sst s9;
	s0 =	simm.s32 @!p0 $0x0  }
0x12: {  	s1 =	sld [smem:$0x3F8B];
	s0 =	simm.s32 @p0 $0x1  }
0x13: {  	[smem:$0x3FA6] =	sst s0;
	s0 =	simm.s32 @!p1 $0x0  }
0x14: {  	s2 =	sld [smem:$0x3F8A];
	s0 =	simm.s32 @p1 $0x1  }
0x15: {  	[smem:$0x3FA7] =	sst s0;
	s0 =	simm.s32 @!p2 $0x0  }
0x16: {  	s3 =	sld [smem:$0x3FDB];
	s0 =	simm.s32 @p2 $0x1  }
0x17: {  	s4 =	simm.s32 $0x1BF5;
	[smem:$0x3FA9] =	sst s0  }
0x18: {  	s0 =	sld [smem:$0x3F8C];
	_ =	swait.ge [sflag:s4], $0x0  }
0x19: {  	s7 =	sld [smem:$0x3F8D]  }
0x1a: {  	s8 =	sadd.s32 $0xFFFFE003, lr  }
0x1b: {  	s9 =	sadd.s32 $0xFFFFFEF7, lr;
	s5 =	simm.s32 $0xFFFFFFFF;
	p2 =	slt.u32 s8, $0xFFFFF086  }
0x1c: {  	p1 =	slt.u32 s9, $0xF7A;
	s5 =	simm.s32 @!p2 $0x0  }
0x1d: {  	s5 =	simm.s32 @p1 $0x1;
	p0 =	seq.s32 s7, s2  }
0x1e: {  	s7 =	smul.u32 @!p0 $0xF7A, s2;
	p2 =	seq.s32 @!p0 s5, $0x0  }
0x1f: {  	s9 =	smul.u32 $0xF7A, s1;
	s8 =	simm.s32 @!p0 $0x1BF5;
	p2 =	por !p2, p0  }
0x20: {  	[sflag:s8] =	ssyncset.s32 @!p0 $0xFFFFF086;
	s6 =	sadd.s32 @!p0 s3, s7;
	s7 =	simm.s32 @!p0 $0x108  }
0x21: {  	s3 =	sadd.s32 s3, s9;
	s6 =	sadd.s32 @!p0 $0x88, s6;
	s7 =	simm.s32 @p2 $0x1082  }
0x22: {  	[simem:s7], [sflag:s8] =	dma.local @!p0 [hbm:s6], $0xF7A  }
0x23: {  	s9 =	sor.u32 $0xD0000000, s2;
	s6 =	simm.s32 $0x108;
	_ =	swait.ge @!p0 [sflag:s8], $0x0  }
0x24: {  	s3 =	sadd.s32 $0x88, s3;
	s6 =	simm.s32 @!p1 $0x1082;
	[sflag:s4] =	ssyncset.s32 $0xFFFFF086  }
0x25: {  	[simem:s6], [sflag:s4] =	dma.local [hbm:s3], $0xF7A  }
0x26: {  	[smem:$0x3F8D] =	sst s1;
	(tag) =	ssettag s2;
	_ =	strace s9  }
0x27: {  	s1 =	sld [smem:$0x3F9D]  }
0x28: {  	s2 =	sld [smem:$0x3F9E]  }
0x29: {  	s4 =	sld [smem:$0x3FA0]  }
0x2a: {  	p0 =	seq.s32 s5, $0x0;
	s5 =	sld [smem:$0x3FA1]  }
0x2b: {  	s6 =	sld [smem:$0x3FA2]  }
0x2c: {  	s7 =	sld [smem:$0x3FA3]  }
0x2d: {  	s3 =	simm.s32 $0x108;
	s8 =	sld [smem:$0x3FA4]  }
0x2e: {  	s3 =	simm.s32 @!p0 $0x1082;
	s9 =	sld [smem:$0x3FA5]  }
0x2f: {  	lr =	sadd.s32 s0, s3;
	s0 =	sld [smem:$0x3F9C]  }
0x30: {  	s3 =	sld [smem:$0x3F9F]  }
0x31: {  	[smem:$0x3FA8] =	sst s10  }
0x32: {  	s10 =	sld [smem:$0x3FA6];
	_ =	sdelay $0x3  }
0x33: {  	p0 =	seq.s32 s10, $0x1;
	s10 =	sld [smem:$0x3FA8];
	_ =	sdelay $0x3  }
0x34: {  	[smem:$0x3FA8] =	sst s10  }
0x35: {  	s10 =	sld [smem:$0x3FA7];
	_ =	sdelay $0x3  }
0x36: {  	p1 =	seq.s32 s10, $0x1;
	s10 =	sld [smem:$0x3FA8];
	_ =	sdelay $0x3  }
0x37: {  	[smem:$0x3FA8] =	sst s10  }
0x38: {  	s10 =	sld [smem:$0x3FA9]  }
0x39: {  	_ = 	snop;
	(pc) =	sbr.ind lr, $3  }
0x3a: {  	_ = 	snop  }
0x3b: {  	_ = 	snop  }
0x3c: {  	p2 =	seq.s32 s10, $0x1;
	s10 =	sld [smem:$0x3FA8]  }
0x3d: {  	_ =	shalt  }
0x3e: {  	_ =	shalt  }
0x3f: {  	_ =	shalt  }
0x40: {  	_ =	shalt  }
0x41: {  	_ =	shalt  }
0x42: {  	_ =	shalt  }
0x43: {  	_ =	shalt  }
0x44: {  	_ =	shalt  }
0x45: {  	_ =	shalt  }
0x46: {  	_ =	shalt  }
0x47: {  	_ =	shalt  }
0x48: {  	_ =	shalt  }
0x49: {  	_ =	shalt  }
0x4a: {  	_ =	shalt  }
0x4b: {  	_ =	shalt  }
0x4c: {  	_ =	shalt  }
0x4d: {  	_ =	shalt  }
0x4e: {  	_ =	shalt  }
0x4f: {  	_ =	shalt  }
0x50: {  	_ =	shalt  }
0x51: {  	_ =	shalt  }
0x52: {  	_ =	shalt  }
0x53: {  	_ =	shalt  }
0x54: {  	_ =	shalt  }
0x55: {  	_ =	shalt  }
0x56: {  	_ =	shalt  }
0x57: {  	_ =	shalt  }
0x58: {  	_ =	shalt  }
0x59: {  	_ =	shalt  }
0x5a: {  	_ =	shalt  }
0x5b: {  	_ =	shalt  }
0x5c: {  	_ =	shalt  }
0x5d: {  	_ =	shalt  }
0x5e: {  	_ =	shalt  }
0x5f: {  	_ =	shalt  }
0x60: {  	_ =	shalt  }
0x61: {  	_ =	shalt  }
0x62: {  	_ =	shalt  }
0x63: {  	_ =	shalt  }
0x64: {  	_ =	shalt  }
0x65: {  	_ =	shalt  }
0x66: {  	_ =	shalt  }
0x67: {  	_ =	shalt  }
0x68: {  	_ =	shalt  }
0x69: {  	_ =	shalt  }
0x6a: {  	_ =	shalt  }
0x6b: {  	_ =	shalt  }
0x6c: {  	_ =	shalt  }
0x6d: {  	_ =	shalt  }
0x6e: {  	_ =	shalt  }
0x6f: {  	_ =	shalt  }
0x70: {  	_ =	shalt  }
0x71: {  	_ =	shalt  }
0x72: {  	_ =	shalt  }
0x73: {  	_ =	shalt  }
0x74: {  	_ =	shalt  }
0x75: {  	_ =	shalt  }
0x76: {  	_ =	shalt  }
0x77: {  	_ =	shalt  }
0x78: {  	_ =	shalt  }
0x79: {  	_ =	shalt  }
0x7a: {  	_ =	shalt  }
0x7b: {  	_ =	shalt  }
0x7c: {  	_ =	shalt  }
0x7d: {  	_ =	shalt  }
0x7e: {  	_ =	shalt  }
0x7f: {  	_ =	shalt  }
0x80: {  	_ =	shalt  }
0x81: {  	_ =	shalt  }
0x82: {  	_ =	shalt  }
0x83: {  	_ =	shalt  }
0x84: {  	_ =	shalt  }
0x85: {  	_ =	shalt  }
0x86: {  	_ =	shalt  }
0x87: {  	_ =	shalt  }
.Lfunc_end0:
.L_simem_size_0:
called_computation_lowered:
.L_overlay_start_0:
0x88: {  	s2 =	sld [smem:$0x3FD9]  }
0x89: {  	s3 =	sld [smem:$0x3FFE];
	_ =	sdelay $0x1  }
0x8a: {  	s1 =	srdreg.scid  }
0x8b: {  	s0 =	sand.u32 $0x1, s1  }
0x8c: {  	s17 =	sshll.u32 s0, $0xA;
	s2 =	sadd.s32 s3, s2  }
0x8d: {  	s2 =	sadd.s32 s2, s17  }
0x8e: {  	[smem:$0x3FB4] =	sst s2  }
0x8f: {  	_ = 	snop  }
0x90: {  	(tm) =	ssettm $0x1  }
0x91: {  	s18 =	sld [smem:$0x3FFB];
	_ =	sdelay $0x3  }
0x92: {  	_ =	strace s18  }
0x93: {  	s2 =	sld [smem:$0x3FFC];
	_ =	sdelay $0x3  }
0x94: {  	_ =	strace s2  }
0x95: {  	s2 =	sld [smem:$0x3FFD];
	_ =	sdelay $0x3  }
0x96: {  	_ =	strace s2  }
0x97: {  	_ =	strace $0x8FFFFFFF  }
0x98: {  	s19 =	sld [smem:$0x3FDB];
	_ =	sdelay $0x1  }
0x99: {  	s20 =	simm.s32 $_scs_section_size  }
0x9a: {  	s4 =	simm.s32 $_size__tile_overlayer_lowered;
	s5 =	simm.s32 $_tile_overlayer_lowered  }
0x9b: {  	s6 =	simm.s32 $0x1BFF;
	s21 =	sshll.u32 s5, $0x1;
	s3 =	sadd.s32 s20, s19  }
0x9c: {  	s22 =	simm.s32 $0x0;
	s4 =	sshll.u32 s4, $0x1;
	s5 =	sadd.s32 s21, s3  }
0x9d: {  	[timem:s22], [sflag:s6] =	dma.local [hbm:s5], s4  }
0x9e: {  	_ =	swait.ge [sflag:s6], s4  }
0x9f: {  	s4 =	ssub.s32 $0x0, s4;
	[sflag:s6] =	ssyncset.done $0x0  }
0xa0: {  	[sflag:s6] =	ssyncadd.s32 s4;
	_ =	sdelay $0x1  }
0xa1: {  	s23 =	simm.s32 $0x1B8B  }
0xa2: {  	_ =	swait.ge [sflag:s23], $0x1  }
0xa3: {  	[sflag:s23] =	ssyncset.done $0x0  }
0xa4: {  	[sflag:s23] =	ssyncadd.s32 $0xFFFFFFFF  }
0xa5: {  	s4 =	sld [smem:$0x0]  }
0xa6: {  	s5 =	sand.u32 $0xFFFFFFFE, s1  }
0xa7: {  	p0 =	sne.s32 s1, s5  }
0xa8: {  	s5 =	sshll.u32 @p0 s5, $0xE  }
0xa9: {  	s5 =	sadd.s32 @p0 $0x11B8D, s5;
	s6 =	sshll.u32 @p0 s4, $0x11  }
0xaa: {  	s5 =	sor.u32 @p0 s6, s5  }
0xab: {  	[sflag:s5] =	ssyncadd.remote.s32 @p0 $0x1;
	_ =	sdelay $0x1  }
0xac: {  	s5 =	simm.s32 @p0 $0x1B8D  }
0xad: {  	_ =	swait.eq @p0 [sflag:s5], $0x1  }
0xae: {  	[sflag:s5] =	ssyncadd.s32 @p0 $0xFFFFFFFF  }
0xaf: {  	s6 =	sshll.u32 @!p0 s1, $0xE  }
0xb0: {  	s6 =	sor.u32 @!p0 $0x4000, s6;
	s5 =	simm.s32 @!p0 $0x1B8D  }
0xb1: {  	s4 =	sshll.u32 @!p0 s4, $0x11;
	s6 =	sadd.s32 @!p0 $0x11B8D, s6;
	_ =	swait.eq @!p0 [sflag:s5], $0x1  }
0xb2: {  	s4 =	sor.u32 @!p0 s4, s6;
	[sflag:s5] =	ssyncadd.s32 @!p0 $0xFFFFFFFF  }
0xb3: {  	s25 =	simm.s32 $0x1B8E;
	s24 =	sld [smem:$0x3FFE];
	[sflag:s4] =	ssyncadd.remote.s32 @!p0 $0x1  }
0xb4: {  	s26 =	simm.s32 $execute0_lowered;
	[smem:$0x3FD2] =	sst s25  }
0xb5: {  	s5 =	sshll.u32 s26, $0x1;
	_ =	strace $0x80000049;
	[dreg:$0x1] =	wrdreg $0xFFFFFFFF  }
0xb6: {  	s28 =	simm.s32 $_size_execute0_lowered;
	s3 =	sadd.s32 s3, s5;
	[dreg:$0x0] =	wrdreg $0x0  }
0xb7: {  	s5 =	sshll.u32 s28, $0x1;
	[dreg:$0x2] =	wrdreg s3  }
0xb8: {  	[dreg:$0x3] =	wrdreg s5  }
0xb9: {  	[dreg:$0x4] =	wrdreg $0xC0  }
0xba: {  	_ =	task [dreg:s22], $0x5FFFF  }
0xbb: {  	[dreg:$0x1] =	wrdreg $0xFFFFFFFF  }
0xbc: {  	[dreg:$0x0] =	wrdreg $0x60  }
0xbd: {  	[dreg:$0x2] =	wrdreg s24  }
0xbe: {  	[dreg:$0x3] =	wrdreg $0x9  }
0xbf: {  	_ =	task.clear_ibuf [dreg:s22], $0x4FFFF;
	_ =	strace $0x90000049  }
0xc0: {  	s29 =	simm.s32 $0x9;
	_ =	strace $0x8000004B  }
0xc1: {  	_ =	swait.ge [sflag:s29], $0x1  }
0xc2: {  	[sflag:s29] =	ssyncadd.s32 $0xFFFFFFFF  }
0xc3: {  	_ =	strace $0x9000004B  }
0xc4: {  	_ =	sfence  }
0xc5: {  	s30 =	sld [smem:$0x0];
	_ =	sdelay $0x2  }
0xc6: {  	s31 =	sshll.u32 s1, $0xD;
	s1 =	sshrl.u32 s1, $0x2  }
0xc7: {  	s4 =	sand.u32 $0x4000, s31;
	s1 =	sadd.s32 s1, s30  }
0xc8: {  	s0 =	sor.u32 s4, s0;
	s1 =	sshll.u32 s1, $0x11  }
0xc9: {  	s0 =	sor.u32 s1, s0  }
0xca: {  	s0 =	sadd.s32 $0x8F2B, s0  }
0xcb: {  	[sflag:s0] =	ssyncadd.remote.s32 $0x1  }
0xcc: {  	_ =	sfence.sel $0xFFFF  }
0xcd: {  	[dreg:$0x0] =	wrdreg $0xFFFFFFFF;
	(pc) =	sbr.abs _section_cstart, $3  }
0xce: {  	[dreg:$0x1] =	wrdreg $0xFFFFFFFF  }
0xcf: {  	_ =	task.clear_ibuf [dreg:s22], $0x2FFFF;
	_ =	strace $0x9FFFFFFF  }
0xd0: {  	(tm) =	ssettm $0x7FFFFFFF  }
0xd1: {  	_ =	shalt  }
tec
execute0_lowered:
.L_overlay_start_1:
0x0: {  	(tag) =	ssettag $0x1  }
0x1: {  	s0 =	rddreg [dreg:$0x0];
	s1 =	srdreg.scid  }
0x2: {  	s11 =	stileid.u32;
	s2 =	simm.s32 $0x0;
	s13 =	simm.s32 $0x80  }
0x3: {  	s14 =	simm.s32 $0x7900;
	s15 =	simm.s32 $0x1;
	s16 =	simm.s32 $0x1900  }
0x4: {  	s17 =	simm.s32 $0x2;
	s18 =	simm.s32 $0x3900;
	s19 =	simm.s32 $0x3  }
0x5: {  	s31 =	simm.s32 $0x5900;
	s20 =	simm.s32 $0x4;
	s10 =	smul.u32 $0x64, s11  }
0x6: {  	s21 =	simm.s32 $0x5;
	s1 =	sand.u32 $0x1, s1;
	s24 =	smul.u32 $0x19000, s11  }
0x7: {  	s3 =	sshll.u32 s11, $0x1;
	[smem:$0x7FF] =	sst s2;
	s23 =	smul.u32 $0x32, s1  }
0x8: {  	s5 =	sor.u32 s1, s3;
	s6 =	ssub.s32 $0x2, s1;
	s1 =	smul.u32 $0xC800, s1  }
0x9: {  	_ =	strace $0x8000004A;
	s3 =	sadd.s32 $0xD2E00, s0;
	s4 =	smul.u32 $0x320, s5  }
0xa: {  	[dreg:$0x2] =	wrdreg s31;
	s7 =	smul.u32 $0x64000, s5;
	s9 =	sshrl.u32 s6, $0x1  }
0xb: {  	s22 =	ssub.s32 s6, s9;
	s6 =	sadd.s32 s23, s10;
	s8 =	sadd.s32 s4, s0  }
0xc: {  	s4 =	sadd.s32 $0x100400, s0;
	s7 =	sshrl.u32 s7, $0x3;
	s0 =	smax.u32 s22, $0x1  }
0xd: {  	s8 =	sadd.s32 $0xFA000, s8;
	s7 =	sadd.s32 s4, s7;
	[dreg:$0x6] =	wrdreg s0  }
0xe: {  	s6 =	sshll.u32 s6, $0xA;
	[dreg:$0x3] =	wrdreg s8;
	s25 =	sadd.s32 $0xC000, s7  }
0xf: {  	s6 =	sadd.s32 s4, s6;
	s7 =	sadd.s32 $0xC400, s7;
	[dreg:$0x4] =	wrdreg s25  }
0x10: {  	s26 =	sadd.s32 s24, s4;
	s29 =	sadd.s32 $0xC00, s6;
	[dreg:$0x5] =	wrdreg s7  }
0x11: {  	s28 =	simm.s32 $0x0;
	s30 =	sadd.s32 s1, s26;
	[dreg:$0x7] =	wrdreg s29  }
0x12: {  	s5 =	smul.u32 $0x32, s5;
	s23 =	simm.s32 $0x6;
	[dreg:$0x8] =	wrdreg s30  }
.LBB2_1:
0x13: {  	s0 =	rddreg [dreg:$0x3];
	s12 =	simm.s32 $0x9  }
0x14: {  	[tilespmem:s2], [sflag:$0x9] =	stream.linear.gather [hbm4b:s0+s2], $0x1900, $0x38;
	[tilespmem:$0x9900] =	vst v63  }
0x15: {  	p0 =	por $0x0, $0x0;
	_ =	swait.ge [sflag:s12], $0x1900  }
0x16: {  	p1 =	por p0, p0;
	[sflag:s12] =	ssyncset.done $0x0  }
0x17: {  	s0 =	simm.s32 @p1 $0x5;
	[sflag:s12] =	ssyncadd.s32 $0xFFFFE700  }
0x18: {  	_ =	swait.ge @p1 [sflag:s0], $0x2000  }
0x19: {  	s1 =	simm.s32 @p1 $0x1900;
	s7 =	simm.s32 @p1 $0x6;
	[sflag:s0] =	ssyncset.done @p1 $0x0  }
0x1a: {  	s8 =	simm.s32 @p1 $0x80;
	[sflag:s0] =	ssyncadd.s32 @p1 $0xFFFFE000;
	s0 =	simm.s32 @p1 $0x0  }
0x1b: {  	[tilespmem:s1], [sflag:$0x1] =	stream.indirect.gather @p1 [hbm4b:s3+s8], $0x40, s0, s8, $0xb8;
	[tilespmem:$0x9900] =	vst v63  }
0x1c: {  	_ =	swait.ge @p1 [sflag:s7], $0x2000  }
0x1d: {  	s0 =	simm.s32 @p1 $0x80;
	[sflag:s7] =	ssyncset.done @p1 $0x0  }
0x1e: {  	s1 =	simm.s32 @p1 $0x3900;
	[sflag:s7] =	ssyncadd.s32 @p1 $0xFFFFE000;
	s7 =	simm.s32 @p1 $0x7  }
0x1f: {  	[tilespmem:s1], [sflag:$0x2] =	stream.indirect.gather @p1 [hbm4b:s3+s8], $0x40, s0, s8, $0xb8;
	[tilespmem:$0x9900] =	vst v63  }
0x20: {  	_ =	swait.ge @p1 [sflag:s7], $0x2000  }
0x21: {  	s0 =	simm.s32 @p1 $0x100;
	[sflag:s7] =	ssyncset.done @p1 $0x0  }
0x22: {  	s1 =	simm.s32 @p1 $0x5900;
	[sflag:s7] =	ssyncadd.s32 @p1 $0xFFFFE000;
	s7 =	simm.s32 @p1 $0x8  }
0x23: {  	[tilespmem:s1], [sflag:$0x3] =	stream.indirect.gather @p1 [hbm4b:s3+s8], $0x40, s0, s8, $0xb8;
	[tilespmem:$0x9900] =	vst v63  }
0x24: {  	_ =	swait.ge @p1 [sflag:s7], $0x2000  }
0x25: {  	s0 =	simm.s32 @!p1 $0x1900;
	[sflag:s7] =	ssyncset.done @p1 $0x0  }
0x26: {  	s1 =	simm.s32 @!p1 $0x80;
	[sflag:s7] =	ssyncadd.s32 @p1 $0xFFFFE000;
	s7 =	simm.s32 @!p1 $0x0  }
0x27: {  	[tilespmem:s0], [sflag:$0x1] =	stream.indirect.gather @!p1 [hbm4b:s3+s1], $0x40, s7, s1, $0xb8;
	[tilespmem:$0x9900] =	vst v63  }
0x28: {  	s22 =	simm.s32 $0x180;
	s29 =	simm.s32 $0x800;
	s0 =	simm.s32 @!p1 $0x3900  }
0x29: {  	[tilespmem:s0], [sflag:$0x2] =	stream.indirect.gather @!p1 [hbm4b:s3+s1], $0x40, s1, s1, $0xb8;
	[tilespmem:$0x9900] =	vst v63  }
0x2a: {  	s8 =	simm.s32 @!p1 $0x5900;
	s7 =	simm.s32 @!p1 $0x100;
	s0 =	simm.s32 $0x2  }
0x2b: {  	[tilespmem:s8], [sflag:$0x3] =	stream.indirect.gather @!p1 [hbm4b:s3+s1], $0x40, s7, s1, $0xb8;
	[tilespmem:$0x9900] =	vst v63  }
0x2c: {  	s12 =	simm.s32 $0xA;
	s0 =	simm.s32 @!p0 $0x2;
	s1 =	simm.s32 @p0 $0x1  }
0x2d: {  	s0 =	sadd.s32 s5, s0;
	s7 =	simm.s32 $0x6;
	s1 =	simm.s32 @!p0 $0x1  }
0x2e: {  	[tilespmem:s14], [sflag:$0x4] =	stream.indirect.gather [hbm4b:s3+s13], $0x40, s22, s13, $0xb8;
	[tilespmem:$0x9900] =	vst v63  }
0x2f: {  	s0 =	sshll.u32 s0, $0xA;
	p0 =	por $0x1, $0x1;
	_ =	swait.ge [sflag:s15], $0x2000  }
0x30: {  	s1 =	sadd.s32 s5, s1;
	s0 =	sand.u32 $0x1FFFF800, s0;
	[sflag:s15] =	ssyncset.done $0x0  }
0x31: {  	s8 =	simm.s32 @p0 $0x5;
	s6 =	rddreg [dreg:$0x8];
	[sflag:s15] =	ssyncadd.s32 $0xFFFFE000  }
0x32: {  	[hbm4b:s6+s2] =	stream.linear.scatter [tilespmem:s16], [sflag:$0x5], $0x2000, $0x38;
	[tilespmem:$0x9900] =	vst v63  }
0x33: {  	s7 =	simm.s32 @!p0 $0x2;
	s1 =	sshll.u32 s1, $0xA;
	_ =	swait.ge [sflag:s17], $0x2000  }
0x34: {  	s22 =	simm.s32 $0x1000;
	s1 =	sand.u32 $0x1FFFFC00, s1;
	[sflag:s17] =	ssyncset.done $0x0  }
0x35: {  	s8 =	simm.s32 @!p0 $0x1;
	s1 =	sadd.s32 s4, s1;
	[sflag:s17] =	ssyncadd.s32 $0xFFFFE000  }
0x36: {  	[hbm4b:s1+s2] =	stream.linear.scatter [tilespmem:s18], [sflag:$0x6], $0x2000, $0x38;
	[tilespmem:$0x9900] =	vst v63  }
0x37: {  	s24 =	sadd.s32 s5, s7;
	s0 =	sadd.s32 s4, s0;
	_ =	swait.ge [sflag:s19], $0x2000  }
0x38: {  	p0 =	por p0, p0;
	s25 =	sadd.s32 s5, s8;
	[sflag:s19] =	ssyncset.done $0x0  }
0x39: {  	s1 =	sshll.u32 s24, $0xA;
	s26 =	rddreg [dreg:$0x2];
	[sflag:s19] =	ssyncadd.s32 $0xFFFFE000  }
0x3a: {  	[hbm4b:s0+s2] =	stream.linear.scatter [tilespmem:s26], [sflag:$0x7], $0x2000, $0x38;
	[tilespmem:$0x9900] =	vst v63  }
0x3b: {  	s7 =	sshll.u32 s25, $0xA;
	s30 =	sand.u32 $0x1FFFF800, s1;
	_ =	swait.ge [sflag:s20], $0x2000  }
0x3c: {  	s1 =	sadd.s32 $0x1000, s6;
	[sflag:s20] =	ssyncset.done $0x0;
	s10 =	rddreg [dreg:$0x7]  }
0x3d: {  	s0 =	sand.u32 $0x1FFFFC00, s7;
	[sflag:s20] =	ssyncadd.s32 $0xFFFFE000;
	s31 =	sadd.s32 $0x1000, s10  }
.LBB2_2:
0x3e: {  	[hbm4b:s10+s2] =	stream.linear.scatter [tilespmem:s14], [sflag:$0x8], $0x2000, $0x38;
	[tilespmem:$0x9900] =	vst v63  }
0x3f: {  	s7 =	smov.u32 s22;
	s8 =	simm.s32 @p0 $0x5;
	s24 =	smov.u32 s12  }
0x40: {  	s25 =	simm.s32 @p0 $0x1900;
	s26 =	simm.s32 @p0 $0x6;
	_ =	swait.ge @p0 [sflag:s8], $0x2000  }
0x41: {  	s11 =	simm.s32 @p0 $0x80;
	p1 =	sne.s32 s7, $0x0;
	[sflag:s8] =	ssyncset.done @p0 $0x0  }
0x42: {  	s9 =	sadd.s32 @p1 $0xFFFFFFFF, s12;
	[sflag:s8] =	ssyncadd.s32 @p0 $0xFFFFE000;
	s8 =	sshra.s32 @p0 s29, $0x2  }
0x43: {  	[tilespmem:s25], [sflag:$0x1] =	stream.indirect.gather @p0 [hbm4b:s3+s11], $0x40, s8, s11, $0xb8;
	[tilespmem:$0x9900] =	vst v63  }
0x44: {  	s24 =	simm.s32 @!p1 $0x2;
	s25 =	sadd.s32 @p0 $0x80, s8;
	_ =	swait.ge @p0 [sflag:s26], $0x2000  }
0x45: {  	s6 =	sadd.s32 @p0 $0x100, s8;
	s8 =	sadd.s32 s5, s24;
	[sflag:s26] =	ssyncset.done @p0 $0x0  }
0x46: {  	s24 =	simm.s32 @p0 $0x3900;
	[sflag:s26] =	ssyncadd.s32 @p0 $0xFFFFE000;
	s26 =	simm.s32 @p0 $0x7  }
0x47: {  	[tilespmem:s24], [sflag:$0x2] =	stream.indirect.gather @p0 [hbm4b:s3+s11], $0x40, s25, s11, $0xb8;
	[tilespmem:$0x9900] =	vst v63  }
0x48: {  	s9 =	simm.s32 @!p1 $0x1;
	_ =	swait.ge @p0 [sflag:s26], $0x2000  }
0x49: {  	s9 =	sadd.s32 s5, s9;
	[sflag:s26] =	ssyncset.done @p0 $0x0  }
0x4a: {  	s24 =	simm.s32 @p0 $0x5900;
	s25 =	simm.s32 @p0 $0x8;
	[sflag:s26] =	ssyncadd.s32 @p0 $0xFFFFE000  }
0x4b: {  	[tilespmem:s24], [sflag:$0x3] =	stream.indirect.gather @p0 [hbm4b:s3+s11], $0x40, s6, s11, $0xb8;
	[tilespmem:$0x9900] =	vst v63  }
0x4c: {  	s9 =	sshll.u32 s9, $0xA;
	_ =	swait.ge @p0 [sflag:s25], $0x2000  }
0x4d: {  	s6 =	sand.u32 $0x1FFFFC00, s9;
	s9 =	simm.s32 @!p0 $0x1900;
	[sflag:s25] =	ssyncset.done @p0 $0x0  }
0x4e: {  	s11 =	simm.s32 @!p0 $0x80;
	s24 =	simm.s32 @!p0 $0x0;
	[sflag:s25] =	ssyncadd.s32 @p0 $0xFFFFE000  }
0x4f: {  	[tilespmem:s9], [sflag:$0x1] =	stream.indirect.gather @!p0 [hbm4b:s3+s11], $0x40, s24, s11, $0xb8;
	[tilespmem:$0x9900] =	vst v63  }
0x50: {  	s9 =	simm.s32 @!p0 $0x3900  }
0x51: {  	[tilespmem:s9], [sflag:$0x2] =	stream.indirect.gather @!p0 [hbm4b:s3+s11], $0x40, s11, s11, $0xb8;
	[tilespmem:$0x9900] =	vst v63  }
0x52: {  	s26 =	sshra.s32 s29, $0x2;
	s24 =	simm.s32 @!p0 $0x5900;
	s9 =	simm.s32 @!p0 $0x100  }
0x53: {  	[tilespmem:s24], [sflag:$0x3] =	stream.indirect.gather @!p0 [hbm4b:s3+s11], $0x40, s9, s11, $0xb8;
	[tilespmem:$0x9900] =	vst v63  }
0x54: {  	s11 =	sadd.s32 $0x180, s26  }
0x55: {  	[tilespmem:s14], [sflag:$0x4] =	stream.indirect.gather [hbm4b:s3+s13], $0x40, s11, s13, $0xb8;
	[tilespmem:$0x9900] =	vst v63  }
0x56: {  	_ =	swait.ge [sflag:s15], $0x2000  }
0x57: {  	[sflag:s15] =	ssyncset.done $0x0  }
0x58: {  	[sflag:s15] =	ssyncadd.s32 $0xFFFFE000  }
0x59: {  	[hbm4b:s1+s2] =	stream.linear.scatter [tilespmem:s16], [sflag:$0x5], $0x2000, $0x38;
	[tilespmem:$0x9900] =	vst v63  }
0x5a: {  	_ =	swait.ge [sflag:s17], $0x2000  }
0x5b: {  	s10 =	smov.u32 s31;
	s22 =	sadd.s32 $0x800, s22;
	[sflag:s17] =	ssyncset.done $0x0  }
0x5c: {  	s31 =	sadd.s32 $0x1000, s31;
	s24 =	sadd.s32 s4, s0;
	[sflag:s17] =	ssyncadd.s32 $0xFFFFE000  }
0x5d: {  	[hbm4b:s24+s2] =	stream.linear.scatter [tilespmem:s18], [sflag:$0x6], $0x2000, $0x38;
	[tilespmem:$0x9900] =	vst v63  }
0x5e: {  	p2 =	sne.s32 s22, $0x6000;
	s12 =	sadd.s32 $0x4, s12;
	_ =	swait.ge [sflag:s19], $0x2000  }
0x5f: {  	s8 =	sshll.u32 s8, $0xA;
	s26 =	sadd.s32 s4, s30;
	[sflag:s19] =	ssyncset.done $0x0  }
.Ltmp0:
0x60: {  	s25 =	rddreg [dreg:$0x2];
	[sflag:s19] =	ssyncadd.s32 $0xFFFFE000;
	(pc) =	sbr.rel @p2 .LBB2_2-.Ltmp0, $4  }
0x61: {  	[hbm4b:s26+s2] =	stream.linear.scatter [tilespmem:s25], [sflag:$0x7], $0x2000, $0x38;
	[tilespmem:$0x9900] =	vst v63  }
0x62: {  	s8 =	sand.u32 $0x1FFFF800, s8;
	s29 =	smov.u32 s7;
	_ =	swait.ge [sflag:s20], $0x2000  }
0x63: {  	p0 =	por p1, p1;
	s0 =	smov.u32 s6;
	[sflag:s20] =	ssyncset.done $0x0  }
0x64: {  	s30 =	smov.u32 s8;
	s1 =	sadd.s32 $0x1000, s1;
	[sflag:s20] =	ssyncadd.s32 $0xFFFFE000  }
0x65: {  	[hbm4b:s10+s2] =	stream.linear.scatter [tilespmem:s14], [sflag:$0x8], $0x2000, $0x38;
	[tilespmem:$0x9900] =	vst v63  }
0x66: {  	s6 =	simm.s32 @p0 $0x5  }
0x67: {  	_ =	swait.ge @p0 [sflag:s6], $0x2000  }
0x68: {  	s7 =	simm.s32 @p0 $0x1900;
	s8 =	simm.s32 @p0 $0x6;
	[sflag:s6] =	ssyncset.done @p0 $0x0  }
0x69: {  	s9 =	simm.s32 @p0 $0x80;
	[sflag:s6] =	ssyncadd.s32 @p0 $0xFFFFE000;
	s6 =	sshra.s32 @p0 s29, $0x2  }
0x6a: {  	[tilespmem:s7], [sflag:$0x1] =	stream.indirect.gather @p0 [hbm4b:s3+s9], $0x40, s6, s9, $0xb8;
	[tilespmem:$0x9900] =	vst v63  }
0x6b: {  	_ =	swait.ge @p0 [sflag:s8], $0x2000  }
0x6c: {  	[sflag:s8] =	ssyncset.done @p0 $0x0  }
0x6d: {  	s7 =	sadd.s32 @p0 $0x80, s6;
	[sflag:s8] =	ssyncadd.s32 @p0 $0xFFFFE000;
	s8 =	simm.s32 @p0 $0x3900  }
0x6e: {  	[tilespmem:s8], [sflag:$0x2] =	stream.indirect.gather @p0 [hbm4b:s3+s9], $0x40, s7, s9, $0xb8;
	[tilespmem:$0x9900] =	vst v63  }
0x6f: {  	s7 =	simm.s32 @p0 $0x7  }
0x70: {  	_ =	swait.ge @p0 [sflag:s7], $0x2000  }
0x71: {  	[sflag:s7] =	ssyncset.done @p0 $0x0  }
0x72: {  	s6 =	sadd.s32 @p0 $0x100, s6;
	[sflag:s7] =	ssyncadd.s32 @p0 $0xFFFFE000;
	s7 =	simm.s32 @p0 $0x5900  }
0x73: {  	[tilespmem:s7], [sflag:$0x3] =	stream.indirect.gather @p0 [hbm4b:s3+s9], $0x40, s6, s9, $0xb8;
	[tilespmem:$0x9900] =	vst v63  }
0x74: {  	s6 =	simm.s32 @p0 $0x8  }
0x75: {  	_ =	swait.ge @p0 [sflag:s6], $0x2000  }
0x76: {  	s8 =	simm.s32 @!p0 $0x0;
	[sflag:s6] =	ssyncset.done @p0 $0x0  }
0x77: {  	s7 =	simm.s32 @!p0 $0x1900;
	[sflag:s6] =	ssyncadd.s32 @p0 $0xFFFFE000;
	s6 =	simm.s32 @!p0 $0x80  }
0x78: {  	[tilespmem:s7], [sflag:$0x1] =	stream.indirect.gather @!p0 [hbm4b:s3+s6], $0x40, s8, s6, $0xb8;
	[tilespmem:$0x9900] =	vst v63  }
0x79: {  	s7 =	simm.s32 @!p0 $0x3900  }
0x7a: {  	[tilespmem:s7], [sflag:$0x2] =	stream.indirect.gather @!p0 [hbm4b:s3+s6], $0x40, s6, s6, $0xb8;
	[tilespmem:$0x9900] =	vst v63  }
0x7b: {  	s10 =	sshra.s32 s29, $0x2;
	s8 =	simm.s32 @!p0 $0x5900;
	s7 =	simm.s32 @!p0 $0x100  }
0x7c: {  	[tilespmem:s8], [sflag:$0x3] =	stream.indirect.gather @!p0 [hbm4b:s3+s6], $0x40, s7, s6, $0xb8;
	[tilespmem:$0x9900] =	vst v63  }
0x7d: {  	s6 =	sadd.s32 $0x180, s10  }
0x7e: {  	[tilespmem:s14], [sflag:$0x4] =	stream.indirect.gather [hbm4b:s3+s13], $0x40, s6, s13, $0xb8;
	[tilespmem:$0x9900] =	vst v63  }
0x7f: {  	_ =	swait.ge [sflag:s15], $0x2000  }
0x80: {  	[sflag:s15] =	ssyncset.done $0x0  }
0x81: {  	[sflag:s15] =	ssyncadd.s32 $0xFFFFE000  }
0x82: {  	[hbm4b:s1+s2] =	stream.linear.scatter [tilespmem:s16], [sflag:$0x5], $0x2000, $0x38;
	[tilespmem:$0x9900] =	vst v63  }
0x83: {  	_ =	swait.ge [sflag:s17], $0x2000  }
0x84: {  	[sflag:s17] =	ssyncset.done $0x0  }
0x85: {  	s0 =	sadd.s32 s4, s0;
	[sflag:s17] =	ssyncadd.s32 $0xFFFFE000  }
0x86: {  	[hbm4b:s0+s2] =	stream.linear.scatter [tilespmem:s18], [sflag:$0x6], $0x2000, $0x38;
	[tilespmem:$0x9900] =	vst v63  }
0x87: {  	_ =	swait.ge [sflag:s19], $0x2000  }
0x88: {  	[sflag:s19] =	ssyncset.done $0x0  }
0x89: {  	s12 =	sadd.s32 s4, s30;
	s11 =	rddreg [dreg:$0x2];
	[sflag:s19] =	ssyncadd.s32 $0xFFFFE000  }
0x8a: {  	[hbm4b:s12+s2] =	stream.linear.scatter [tilespmem:s11], [sflag:$0x7], $0x2000, $0x38;
	[tilespmem:$0x9900] =	vst v63  }
0x8b: {  	_ =	swait.ge [sflag:s20], $0x2000  }
0x8c: {  	[sflag:s20] =	ssyncset.done $0x0  }
0x8d: {  	[sflag:s20] =	ssyncadd.s32 $0xFFFFE000  }
0x8e: {  	[hbm4b:s31+s2] =	stream.linear.scatter [tilespmem:s14], [sflag:$0x8], $0x2000, $0x38;
	[tilespmem:$0x9900] =	vst v63  }
0x8f: {  	_ =	swait.ge [sflag:s21], $0x2000  }
0x90: {  	[sflag:s21] =	ssyncset.done $0x0  }
0x91: {  	s22 =	simm.s32 $0x1800;
	[sflag:s21] =	ssyncadd.s32 $0xFFFFE000  }
0x92: {  	[tilespmem:s16], [sflag:$0x1] =	stream.indirect.gather [hbm4b:s3+s13], $0x40, s22, s13, $0xb8;
	[tilespmem:$0x9900] =	vst v63  }
0x93: {  	_ =	swait.ge [sflag:s15], $0x2000  }
0x94: {  	[sflag:s15] =	ssyncset.done $0x0  }
0x95: {  	s24 =	rddreg [dreg:$0x4];
	[sflag:s15] =	ssyncadd.s32 $0xFFFFE000  }
0x96: {  	[hbm4b:s24+s2] =	stream.linear.scatter [tilespmem:s16], [sflag:$0x5], $0x2000, $0x38;
	[tilespmem:$0x9900] =	vst v63  }
0x97: {  	_ =	swait.ge [sflag:s23], $0x2000  }
0x98: {  	[sflag:s23] =	ssyncset.done $0x0  }
0x99: {  	s25 =	simm.s32 $0x1880;
	[sflag:s23] =	ssyncadd.s32 $0xFFFFE000  }
0x9a: {  	[tilespmem:s18], [sflag:$0x2] =	stream.indirect.gather [hbm4b:s3+s13], $0x40, s25, s13, $0xb8;
	[tilespmem:$0x9900] =	vst v63  }
0x9b: {  	_ =	swait.ge [sflag:s17], $0x2000  }
0x9c: {  	[sflag:s17] =	ssyncset.done $0x0  }
0x9d: {  	s26 =	rddreg [dreg:$0x5];
	[sflag:s17] =	ssyncadd.s32 $0xFFFFE000  }
0x9e: {  	[hbm4b:s26+s2] =	stream.linear.scatter [tilespmem:s18], [sflag:$0x6], $0x2000, $0x38;
	[tilespmem:$0x9900] =	vst v63  }
0x9f: {  	_ =	swait.ge [sflag:s21], $0x2000  }
0xa0: {  	[sflag:s21] =	ssyncset.done $0x0  }
0xa1: {  	[sflag:s21] =	ssyncadd.s32 $0xFFFFE000  }
0xa2: {  	_ =	swait.ge [sflag:s23], $0x2000  }
0xa3: {  	[sflag:s23] =	ssyncset.done $0x0  }
0xa4: {  	s29 =	simm.s32 $0x7;
	[sflag:s23] =	ssyncadd.s32 $0xFFFFE000  }
0xa5: {  	_ =	swait.ge [sflag:s29], $0x2000  }
0xa6: {  	[sflag:s29] =	ssyncset.done $0x0  }
0xa7: {  	s30 =	simm.s32 $0x8;
	[sflag:s29] =	ssyncadd.s32 $0xFFFFE000  }
0xa8: {  	_ =	swait.ge [sflag:s30], $0x2000  }
0xa9: {  	s28 =	sadd.s32 $0x1, s28;
	s31 =	rddreg [dreg:$0x6]  }
0xaa: {  	p0 =	sne.s32 s28, s31  }
.Ltmp1:
0xab: {  	_ = 	snop;
	(pc) =	sbr.rel @p0 .LBB2_1-.Ltmp1, $3  }
0xac: {  	_ =	sdelay $0x1  }
0xad: {  	[sflag:s30] =	ssyncset.done $0x0  }
0xae: {  	[sflag:s30] =	ssyncadd.s32 $0xFFFFE000  }
0xaf: {  	_ =	sfence.sel $0x180000  }
0xb0: {  	[bflag:$0x0] =	sbarrier.arrive $0xFFFF  }
0xb1: {  	_ =	strace $0x9000004A  }
0xb2: {  	s0 =	stileid.u32;
	[bflag:$0x2] =	sbarrier.arrive $0xFFFF  }
0xb3: {  	p0 =	sne.s32 s0, $0x0;
	s0 =	rddreg [dreg:$0x1]  }
0xb4: {  	s0 =	sadd.s32 @!p0 $0x100000, s0  }
0xb5: {  	[sflag:s0] =	ssyncadd.tile.s32 @!p0 $0x1;
	_ =	shalt  }
.Lfunc_end2:
_tile_overlayer_lowered:
.L_overlay_start_2:
0xb6: {  	(tag) =	ssettag $0x2  }
0xb7: {  	s0 =	rddreg [dreg:$0x0];
	s2 =	stileid.u32  }
0xb8: {  	s1 =	rddreg [dreg:$0x1];
	p0 =	sne.s32 s2, $0x0  }
0xb9: {  	s3 =	rddreg [dreg:$0x2];
	[bflag:$0x3] =	sbarrier.arrive $0xFFFF;
	s2 =	simm.s32 @!p0 $0x1C09  }
0xba: {  	[timem:s3], [sflag:s2] =	dma.local @!p0 [hbm:s0], s1  }
0xbb: {  	s0 =	simm.s32 @!p0 $0x9  }
0xbc: {  	_ =	swait.ge @!p0 [sflag:s0], s1  }
0xbd: {  	s1 =	ssub.s32 @!p0 $0x0, s1;
	[sflag:s0] =	ssyncset.done @!p0 $0x0  }
0xbe: {  	[sflag:s0] =	ssyncadd.s32 @!p0 s1  }
0xbf: {  	[bflag:$0x3] =	sbarrier.arrive $0xFFFF  }
0xc0: {  	_ =	shalt  }

// kernel: kernel.8.cloned.1.call-start
scs
__scs_entry_jumppad:
0x0: {  	(pc) =	sbr.rel $0x88, $3  }
0x1: {  	(tag) =	ssettag $0x0;
	lr =	simm.s32 $0x1  }
0x2: {  	[smem:$0x3F8D] =	sst lr;
	_ =	strace $0xD0000000  }
0x3: {  	_ = 	snop  }
0x4: {  	_ = 	snop  }
0x5: {  	_ = 	snop  }
0x6: {  	_ = 	snop  }
0x7: {  	_ = 	snop  }
__scs_overlays_trampoline_lowered:
0x8: {  	[smem:$0x3F9C] =	sst s0  }
0x9: {  	[smem:$0x3F9D] =	sst s1  }
0xa: {  	[smem:$0x3F9E] =	sst s2  }
0xb: {  	[smem:$0x3F9F] =	sst s3  }
0xc: {  	[smem:$0x3FA0] =	sst s4  }
0xd: {  	[smem:$0x3FA1] =	sst s5  }
0xe: {  	[smem:$0x3FA2] =	sst s6  }
0xf: {  	[smem:$0x3FA3] =	sst s7  }
0x10: {  	[smem:$0x3FA4] =	sst s8  }
0x11: {  	[smem:$0x3FA5] =	sst s9;
	s0 =	simm.s32 @!p0 $0x0  }
0x12: {  	s1 =	sld [smem:$0x3F8B];
	s0 =	simm.s32 @p0 $0x1  }
0x13: {  	[smem:$0x3FA6] =	sst s0;
	s0 =	simm.s32 @!p1 $0x0  }
0x14: {  	s2 =	sld [smem:$0x3F8A];
	s0 =	simm.s32 @p1 $0x1  }
0x15: {  	[smem:$0x3FA7] =	sst s0;
	s0 =	simm.s32 @!p2 $0x0  }
0x16: {  	s3 =	sld [smem:$0x3FDB];
	s0 =	simm.s32 @p2 $0x1  }
0x17: {  	s4 =	simm.s32 $0x1BF5;
	[smem:$0x3FA9] =	sst s0  }
0x18: {  	s0 =	sld [smem:$0x3F8C];
	_ =	swait.ge [sflag:s4], $0x0  }
0x19: {  	s7 =	sld [smem:$0x3F8D]  }
0x1a: {  	s8 =	sadd.s32 $0xFFFFE003, lr  }
0x1b: {  	s9 =	sadd.s32 $0xFFFFFEF7, lr;
	s5 =	simm.s32 $0xFFFFFFFF;
	p2 =	slt.u32 s8, $0xFFFFF086  }
0x1c: {  	p1 =	slt.u32 s9, $0xF7A;
	s5 =	simm.s32 @!p2 $0x0  }
0x1d: {  	s5 =	simm.s32 @p1 $0x1;
	p0 =	seq.s32 s7, s2  }
0x1e: {  	s7 =	smul.u32 @!p0 $0xF7A, s2;
	p2 =	seq.s32 @!p0 s5, $0x0  }
0x1f: {  	s9 =	smul.u32 $0xF7A, s1;
	s8 =	simm.s32 @!p0 $0x1BF5;
	p2 =	por !p2, p0  }
0x20: {  	[sflag:s8] =	ssyncset.s32 @!p0 $0xFFFFF086;
	s6 =	sadd.s32 @!p0 s3, s7;
	s7 =	simm.s32 @!p0 $0x108  }
0x21: {  	s3 =	sadd.s32 s3, s9;
	s6 =	sadd.s32 @!p0 $0x88, s6;
	s7 =	simm.s32 @p2 $0x1082  }
0x22: {  	[simem:s7], [sflag:s8] =	dma.local @!p0 [hbm:s6], $0xF7A  }
0x23: {  	s9 =	sor.u32 $0xD0000000, s2;
	s6 =	simm.s32 $0x108;
	_ =	swait.ge @!p0 [sflag:s8], $0x0  }
0x24: {  	s3 =	sadd.s32 $0x88, s3;
	s6 =	simm.s32 @!p1 $0x1082;
	[sflag:s4] =	ssyncset.s32 $0xFFFFF086  }
0x25: {  	[simem:s6], [sflag:s4] =	dma.local [hbm:s3], $0xF7A  }
0x26: {  	[smem:$0x3F8D] =	sst s1;
	(tag) =	ssettag s2;
	_ =	strace s9  }
0x27: {  	s1 =	sld [smem:$0x3F9D]  }
0x28: {  	s2 =	sld [smem:$0x3F9E]  }
0x29: {  	s4 =	sld [smem:$0x3FA0]  }
0x2a: {  	p0 =	seq.s32 s5, $0x0;
	s5 =	sld [smem:$0x3FA1]  }
0x2b: {  	s6 =	sld [smem:$0x3FA2]  }
0x2c: {  	s7 =	sld [smem:$0x3FA3]  }
0x2d: {  	s3 =	simm.s32 $0x108;
	s8 =	sld [smem:$0x3FA4]  }
0x2e: {  	s3 =	simm.s32 @!p0 $0x1082;
	s9 =	sld [smem:$0x3FA5]  }
0x2f: {  	lr =	sadd.s32 s0, s3;
	s0 =	sld [smem:$0x3F9C]  }
0x30: {  	s3 =	sld [smem:$0x3F9F]  }
0x31: {  	[smem:$0x3FA8] =	sst s10  }
0x32: {  	s10 =	sld [smem:$0x3FA6];
	_ =	sdelay $0x3  }
0x33: {  	p0 =	seq.s32 s10, $0x1;
	s10 =	sld [smem:$0x3FA8];
	_ =	sdelay $0x3  }
0x34: {  	[smem:$0x3FA8] =	sst s10  }
0x35: {  	s10 =	sld [smem:$0x3FA7];
	_ =	sdelay $0x3  }
0x36: {  	p1 =	seq.s32 s10, $0x1;
	s10 =	sld [smem:$0x3FA8];
	_ =	sdelay $0x3  }
0x37: {  	[smem:$0x3FA8] =	sst s10  }
0x38: {  	s10 =	sld [smem:$0x3FA9]  }
0x39: {  	_ = 	snop;
	(pc) =	sbr.ind lr, $3  }
0x3a: {  	_ = 	snop  }
0x3b: {  	_ = 	snop  }
0x3c: {  	p2 =	seq.s32 s10, $0x1;
	s10 =	sld [smem:$0x3FA8]  }
0x3d: {  	_ =	shalt  }
0x3e: {  	_ =	shalt  }
0x3f: {  	_ =	shalt  }
0x40: {  	_ =	shalt  }
0x41: {  	_ =	shalt  }
0x42: {  	_ =	shalt  }
0x43: {  	_ =	shalt  }
0x44: {  	_ =	shalt  }
0x45: {  	_ =	shalt  }
0x46: {  	_ =	shalt  }
0x47: {  	_ =	shalt  }
0x48: {  	_ =	shalt  }
0x49: {  	_ =	shalt  }
0x4a: {  	_ =	shalt  }
0x4b: {  	_ =	shalt  }
0x4c: {  	_ =	shalt  }
0x4d: {  	_ =	shalt  }
0x4e: {  	_ =	shalt  }
0x4f: {  	_ =	shalt  }
0x50: {  	_ =	shalt  }
0x51: {  	_ =	shalt  }
0x52: {  	_ =	shalt  }
0x53: {  	_ =	shalt  }
0x54: {  	_ =	shalt  }
0x55: {  	_ =	shalt  }
0x56: {  	_ =	shalt  }
0x57: {  	_ =	shalt  }
0x58: {  	_ =	shalt  }
0x59: {  	_ =	shalt  }
0x5a: {  	_ =	shalt  }
0x5b: {  	_ =	shalt  }
0x5c: {  	_ =	shalt  }
0x5d: {  	_ =	shalt  }
0x5e: {  	_ =	shalt  }
0x5f: {  	_ =	shalt  }
0x60: {  	_ =	shalt  }
0x61: {  	_ =	shalt  }
0x62: {  	_ =	shalt  }
0x63: {  	_ =	shalt  }
0x64: {  	_ =	shalt  }
0x65: {  	_ =	shalt  }
0x66: {  	_ =	shalt  }
0x67: {  	_ =	shalt  }
0x68: {  	_ =	shalt  }
0x69: {  	_ =	shalt  }
0x6a: {  	_ =	shalt  }
0x6b: {  	_ =	shalt  }
0x6c: {  	_ =	shalt  }
0x6d: {  	_ =	shalt  }
0x6e: {  	_ =	shalt  }
0x6f: {  	_ =	shalt  }
0x70: {  	_ =	shalt  }
0x71: {  	_ =	shalt  }
0x72: {  	_ =	shalt  }
0x73: {  	_ =	shalt  }
0x74: {  	_ =	shalt  }
0x75: {  	_ =	shalt  }
0x76: {  	_ =	shalt  }
0x77: {  	_ =	shalt  }
0x78: {  	_ =	shalt  }
0x79: {  	_ =	shalt  }
0x7a: {  	_ =	shalt  }
0x7b: {  	_ =	shalt  }
0x7c: {  	_ =	shalt  }
0x7d: {  	_ =	shalt  }
0x7e: {  	_ =	shalt  }
0x7f: {  	_ =	shalt  }
0x80: {  	_ =	shalt  }
0x81: {  	_ =	shalt  }
0x82: {  	_ =	shalt  }
0x83: {  	_ =	shalt  }
0x84: {  	_ =	shalt  }
0x85: {  	_ =	shalt  }
0x86: {  	_ =	shalt  }
0x87: {  	_ =	shalt  }
.Lfunc_end0:
.L_simem_size_0:
called_computation.1_lowered:
.L_overlay_start_0:
0x88: {  	s2 =	sld [smem:$0x3FD9]  }
0x89: {  	s3 =	sld [smem:$0x3FFE];
	_ =	sdelay $0x1  }
0x8a: {  	s1 =	srdreg.scid  }
0x8b: {  	s0 =	sand.u32 $0x1, s1  }
0x8c: {  	s16 =	sshll.u32 s0, $0xA;
	s2 =	sadd.s32 s3, s2  }
0x8d: {  	s2 =	sadd.s32 s2, s16  }
0x8e: {  	[smem:$0x3FB4] =	sst s2  }
0x8f: {  	_ = 	snop  }
0x90: {  	(tm) =	ssettm $0x1  }
0x91: {  	s17 =	sld [smem:$0x3FFB];
	_ =	sdelay $0x3  }
0x92: {  	_ =	strace s17  }
0x93: {  	s2 =	sld [smem:$0x3FFC];
	_ =	sdelay $0x3  }
0x94: {  	_ =	strace s2  }
0x95: {  	s2 =	sld [smem:$0x3FFD];
	_ =	sdelay $0x3  }
0x96: {  	_ =	strace s2  }
0x97: {  	_ =	strace $0x8FFFFFFF  }
0x98: {  	s18 =	sld [smem:$0x3FDB];
	_ =	sdelay $0x1  }
0x99: {  	s19 =	simm.s32 $_scs_section_size  }
0x9a: {  	s4 =	simm.s32 $_size__tile_overlayer_lowered;
	s5 =	simm.s32 $_tile_overlayer_lowered  }
0x9b: {  	s22 =	simm.s32 $0x1BFF;
	s21 =	sshll.u32 s5, $0x1;
	s2 =	sadd.s32 s19, s18  }
0x9c: {  	s6 =	simm.s32 $0x0;
	s20 =	sshll.u32 s4, $0x1;
	s4 =	sadd.s32 s21, s2  }
0x9d: {  	[timem:s6], [sflag:s22] =	dma.local [hbm:s4], s20  }
0x9e: {  	_ =	swait.ge [sflag:s22], s20  }
0x9f: {  	s3 =	ssub.s32 $0x0, s20;
	[sflag:s22] =	ssyncset.done $0x0  }
0xa0: {  	[sflag:s22] =	ssyncadd.s32 s3;
	_ =	sdelay $0x1  }
0xa1: {  	s23 =	simm.s32 $0x1B8B  }
0xa2: {  	_ =	swait.ge [sflag:s23], $0x1  }
0xa3: {  	[sflag:s23] =	ssyncset.done $0x0  }
0xa4: {  	s25 =	simm.s32 $0x1B8E;
	s24 =	sld [smem:$0x3FFE];
	[sflag:s23] =	ssyncadd.s32 $0xFFFFFFFF  }
0xa5: {  	s26 =	simm.s32 $execute0_lowered;
	[smem:$0x3FD2] =	sst s25  }
0xa6: {  	s4 =	sshll.u32 s26, $0x1;
	_ =	strace $0x80000046;
	[dreg:$0x1] =	wrdreg $0xFFFFFFFF  }
0xa7: {  	s28 =	simm.s32 $_size_execute0_lowered;
	s2 =	sadd.s32 s2, s4;
	[dreg:$0x0] =	wrdreg $0x0  }
0xa8: {  	s4 =	sshll.u32 s28, $0x1;
	[dreg:$0x2] =	wrdreg s2  }
0xa9: {  	[dreg:$0x3] =	wrdreg s4  }
0xaa: {  	[dreg:$0x4] =	wrdreg $0xC0  }
0xab: {  	_ =	task [dreg:s6], $0x5FFFF  }
0xac: {  	[dreg:$0x1] =	wrdreg $0xFFFFFFFF  }
0xad: {  	[dreg:$0x0] =	wrdreg $0x60  }
0xae: {  	[dreg:$0x2] =	wrdreg s24  }
0xaf: {  	[dreg:$0x3] =	wrdreg $0xA  }
0xb0: {  	_ =	task.clear_ibuf [dreg:s6], $0x4FFFF;
	_ =	strace $0x90000046  }
0xb1: {  	s29 =	simm.s32 $0xA;
	_ =	strace $0x80000048  }
0xb2: {  	_ =	swait.ge [sflag:s29], $0x1  }
0xb3: {  	[sflag:s29] =	ssyncadd.s32 $0xFFFFFFFF  }
0xb4: {  	_ =	strace $0x90000048  }
0xb5: {  	_ =	sfence  }
0xb6: {  	s30 =	sld [smem:$0x0];
	_ =	sdelay $0x2  }
0xb7: {  	s31 =	sshll.u32 s1, $0xD;
	s1 =	sshrl.u32 s1, $0x2  }
0xb8: {  	s3 =	sand.u32 $0x4000, s31;
	s1 =	sadd.s32 s1, s30  }
0xb9: {  	s0 =	sor.u32 s3, s0;
	s1 =	sshll.u32 s1, $0x11  }
0xba: {  	s0 =	sor.u32 s1, s0  }
0xbb: {  	s0 =	sadd.s32 $0x8F2B, s0  }
0xbc: {  	[sflag:s0] =	ssyncadd.remote.s32 $0x1  }
0xbd: {  	_ =	sfence.sel $0xFFFF  }
0xbe: {  	[dreg:$0x0] =	wrdreg $0xFFFFFFFF;
	(pc) =	sbr.abs _section_cstart, $3  }
0xbf: {  	[dreg:$0x1] =	wrdreg $0xFFFFFFFF  }
0xc0: {  	_ =	task.clear_ibuf [dreg:s6], $0x2FFFF;
	_ =	strace $0x9FFFFFFF  }
0xc1: {  	(tm) =	ssettm $0x7FFFFFFF  }
tec
execute0_lowered:
.L_overlay_start_1:
0x0: {  	(tag) =	ssettag $0x1  }
0x1: {  	s0 =	rddreg [dreg:$0x0]  }
0x2: {  	s1 =	srdreg.scid;
	s12 =	stileid.u32  }
0x3: {  	s2 =	simm.s32 $0x0;
	s17 =	simm.s32 $0x80;
	s18 =	simm.s32 $0x6C00  }
0x4: {  	s30 =	simm.s32 $0x8;
	s1 =	sand.u32 $0x1, s1;
	s11 =	smul.u32 $0x28, s12  }
0x5: {  	s3 =	sshll.u32 s12, $0x1;
	[smem:$0x7FF] =	sst s2;
	s25 =	smul.u32 $0xA000, s12  }
0x6: {  	s4 =	sadd.s32 $0xDE00, s0;
	s6 =	sor.u32 s1, s3;
	s20 =	smul.u32 $0x14, s1  }
0x7: {  	_ =	strace $0x80000047;
	s10 =	ssub.s32 $0x2, s1;
	s1 =	smul.u32 $0x5000, s1  }
0x8: {  	s3 =	sadd.s32 $0x4000, s0;
	s5 =	smul.u32 $0x140, s6;
	s7 =	sshll.u32 s6, $0x6  }
0x9: {  	s9 =	sshll.u32 s6, $0xC;
	s6 =	smul.u32 $0x14, s6;
	s19 =	sshrl.u32 s10, $0x1  }
0xa: {  	s7 =	sadd.s32 s7, s0;
	s24 =	sadd.s32 s20, s11;
	s20 =	simm.s32 $0xC00  }
0xb: {  	s8 =	sadd.s32 s5, s0;
	s5 =	sadd.s32 $0x32E00, s0;
	s7 =	sadd.s32 $0x12600, s7  }
0xc: {  	s0 =	sadd.s32 s9, s0;
	s8 =	sadd.s32 $0xFE00, s8;
	[dreg:$0x3] =	wrdreg s7  }
0xd: {  	s9 =	ssub.s32 s10, s19;
	s21 =	sadd.s32 $0x12E00, s0;
	[dreg:$0x2] =	wrdreg s8  }
0xe: {  	s26 =	sshll.u32 s24, $0xA;
	s22 =	sadd.s32 $0x13200, s0;
	[dreg:$0x4] =	wrdreg s21  }
0xf: {  	s19 =	simm.s32 $0x1;
	s23 =	sadd.s32 $0x13600, s0;
	[dreg:$0x5] =	wrdreg s22  }
0x10: {  	s24 =	simm.s32 $0x4C00;
	s0 =	sadd.s32 $0x13A00, s0;
	[dreg:$0x6] =	wrdreg s23  }
0x11: {  	s28 =	smax.u32 s9, $0x1;
	s29 =	sadd.s32 s25, s5;
	[dreg:$0x7] =	wrdreg s0  }
0x12: {  	s7 =	simm.s32 $0x9;
	s25 =	simm.s32 $0x4;
	[dreg:$0x8] =	wrdreg s28  }
0x13: {  	s0 =	sadd.s32 s26, s5;
	s31 =	sadd.s32 s1, s29;
	s21 =	simm.s32 $0x2  }
0x14: {  	s22 =	simm.s32 $0x2C00;
	s0 =	sadd.s32 $0xC00, s0;
	[dreg:$0xa] =	wrdreg s31  }
0x15: {  	s23 =	simm.s32 $0x3;
	s1 =	simm.s32 $0x0;
	[dreg:$0x9] =	wrdreg s0  }
.LBB2_1:
0x16: {  	s0 =	rddreg [dreg:$0x2]  }
0x17: {  	[tilespmem:s2], [sflag:$0x9] =	stream.linear.gather [hbm4b:s0+s2], $0xA00, $0x38;
	[tilespmem:$0x8C00] =	vst v63  }
0x18: {  	_ =	swait.ge [sflag:s7], $0xA00  }
0x19: {  	p0 =	por $0x0, $0x0;
	[sflag:s7] =	ssyncset.done $0x0  }
0x1a: {  	s0 =	simm.s32 @p0 $0x5;
	[sflag:s7] =	ssyncadd.s32 $0xFFFFF600  }
0x1b: {  	_ =	swait.ge @p0 [sflag:s0], $0x2000  }
0x1c: {  	s8 =	simm.s32 @p0 $0x6;
	s9 =	simm.s32 @p0 $0x0;
	[sflag:s0] =	ssyncset.done @p0 $0x0  }
0x1d: {  	s10 =	simm.s32 @p0 $0x80;
	s7 =	simm.s32 @p0 $0xC00;
	[sflag:s0] =	ssyncadd.s32 @p0 $0xFFFFE000  }
0x1e: {  	[tilespmem:s7], [sflag:$0x1] =	stream.indirect.gather @p0 [hbm4b:s3+s10], $0x40, s9, s10, $0xb8;
	[tilespmem:$0x8C00] =	vst v63  }
0x1f: {  	_ =	swait.ge @p0 [sflag:s8], $0x2000  }
0x20: {  	s0 =	simm.s32 @p0 $0x80;
	[sflag:s8] =	ssyncset.done @p0 $0x0  }
0x21: {  	s7 =	simm.s32 @p0 $0x2C00;
	s9 =	simm.s32 @p0 $0x7;
	[sflag:s8] =	ssyncadd.s32 @p0 $0xFFFFE000  }
0x22: {  	[tilespmem:s7], [sflag:$0x2] =	stream.indirect.gather @p0 [hbm4b:s3+s10], $0x40, s0, s10, $0xb8;
	[tilespmem:$0x8C00] =	vst v63  }
0x23: {  	_ =	swait.ge @p0 [sflag:s9], $0x2000  }
0x24: {  	s8 =	simm.s32 @p0 $0x8;
	[sflag:s9] =	ssyncset.done @p0 $0x0  }
0x25: {  	s0 =	simm.s32 @p0 $0x100;
	s7 =	simm.s32 @p0 $0x4C00;
	[sflag:s9] =	ssyncadd.s32 @p0 $0xFFFFE000  }
0x26: {  	[tilespmem:s7], [sflag:$0x3] =	stream.indirect.gather @p0 [hbm4b:s3+s10], $0x40, s0, s10, $0xb8;
	[tilespmem:$0x8C00] =	vst v63  }
0x27: {  	_ =	swait.ge @p0 [sflag:s8], $0x2000  }
0x28: {  	s9 =	simm.s32 @!p0 $0x0;
	[sflag:s8] =	ssyncset.done @p0 $0x0  }
0x29: {  	s0 =	simm.s32 @!p0 $0xC00;
	s7 =	simm.s32 @!p0 $0x80;
	[sflag:s8] =	ssyncadd.s32 @p0 $0xFFFFE000  }
0x2a: {  	[tilespmem:s0], [sflag:$0x1] =	stream.indirect.gather @!p0 [hbm4b:s3+s7], $0x40, s9, s7, $0xb8;
	[tilespmem:$0x8C00] =	vst v63  }
0x2b: {  	s0 =	simm.s32 @!p0 $0x2C00  }
0x2c: {  	[tilespmem:s0], [sflag:$0x2] =	stream.indirect.gather @!p0 [hbm4b:s3+s7], $0x40, s7, s7, $0xb8;
	[tilespmem:$0x8C00] =	vst v63  }
0x2d: {  	s8 =	simm.s32 @!p0 $0x4C00;
	s0 =	simm.s32 @!p0 $0x100  }
0x2e: {  	[tilespmem:s8], [sflag:$0x3] =	stream.indirect.gather @!p0 [hbm4b:s3+s7], $0x40, s0, s7, $0xb8;
	[tilespmem:$0x8C00] =	vst v63  }
0x2f: {  	s26 =	simm.s32 $0x180  }
0x30: {  	[tilespmem:s18], [sflag:$0x4] =	stream.indirect.gather [hbm4b:s3+s17], $0x40, s26, s17, $0xb8;
	[tilespmem:$0x8C00] =	vst v63  }
0x31: {  	s31 =	simm.s32 $0x6;
	s0 =	simm.s32 @p0 $0x1;
	_ =	swait.ge [sflag:s19], $0x2000  }
0x32: {  	s10 =	simm.s32 $0x1000;
	s0 =	simm.s32 @!p0 $0x1;
	[sflag:s19] =	ssyncset.done $0x0  }
0x33: {  	s0 =	sadd.s32 s6, s0;
	s28 =	rddreg [dreg:$0xa];
	[sflag:s19] =	ssyncadd.s32 $0xFFFFE000  }
0x34: {  	[hbm4b:s28+s2] =	stream.linear.scatter [tilespmem:s20], [sflag:$0x5], $0x2000, $0x38;
	[tilespmem:$0x8C00] =	vst v63  }
0x35: {  	s7 =	simm.s32 $0x2;
	s0 =	sshll.u32 s0, $0xA;
	_ =	swait.ge [sflag:s21], $0x2000  }
0x36: {  	s7 =	simm.s32 @!p0 $0x2;
	s0 =	sand.u32 $0x1FFFF400, s0;
	[sflag:s21] =	ssyncset.done $0x0  }
0x37: {  	s7 =	sadd.s32 s6, s7;
	s0 =	sadd.s32 s5, s0;
	[sflag:s21] =	ssyncadd.s32 $0xFFFFE000  }
0x38: {  	[hbm4b:s0+s2] =	stream.linear.scatter [tilespmem:s22], [sflag:$0x6], $0x2000, $0x38;
	[tilespmem:$0x8C00] =	vst v63  }
0x39: {  	s9 =	simm.s32 $0x800;
	s29 =	sshll.u32 s7, $0xA;
	_ =	swait.ge [sflag:s23], $0x2000  }
0x3a: {  	p0 =	por $0x1, $0x1;
	s0 =	sand.u32 $0x1FFFF800, s29;
	[sflag:s23] =	ssyncset.done $0x0  }
0x3b: {  	s0 =	sadd.s32 s5, s0;
	s14 =	rddreg [dreg:$0x9];
	[sflag:s23] =	ssyncadd.s32 $0xFFFFE000  }
0x3c: {  	[hbm4b:s0+s2] =	stream.linear.scatter [tilespmem:s24], [sflag:$0x7], $0x2000, $0x38;
	[tilespmem:$0x8C00] =	vst v63  }
0x3d: {  	s8 =	sadd.s32 $0x1000, s28;
	s0 =	sadd.s32 $0x1000, s14;
	_ =	swait.ge [sflag:s25], $0x2000  }
.LBB2_2:
0x3e: {  	s13 =	simm.s32 @p0 $0x5;
	s7 =	smov.u32 s31  }
0x3f: {  	[sflag:s25] =	ssyncset.done $0x0;
	s12 =	smov.u32 s10;
	s7 =	simm.s32 @!p0 $0x2  }
0x40: {  	s10 =	sadd.s32 $0x800, s10;
	s7 =	sadd.s32 s6, s7;
	[sflag:s25] =	ssyncadd.s32 $0xFFFFE000  }
0x41: {  	[hbm4b:s14+s2] =	stream.linear.scatter [tilespmem:s18], [sflag:$0x8], $0x2000, $0x38;
	[tilespmem:$0x8C00] =	vst v63  }
0x42: {  	s15 =	simm.s32 @p0 $0x6;
	s14 =	simm.s32 @p0 $0xC00;
	_ =	swait.ge @p0 [sflag:s13], $0x2000  }
0x43: {  	s11 =	sshra.s32 @p0 s9, $0x2;
	s16 =	simm.s32 @p0 $0x80;
	[sflag:s13] =	ssyncset.done @p0 $0x0  }
0x44: {  	s26 =	sadd.s32 @p0 $0x80, s11;
	s28 =	sadd.s32 @p0 $0x100, s11;
	[sflag:s13] =	ssyncadd.s32 @p0 $0xFFFFE000  }
0x45: {  	[tilespmem:s14], [sflag:$0x1] =	stream.indirect.gather @p0 [hbm4b:s3+s16], $0x40, s11, s16, $0xb8;
	[tilespmem:$0x8C00] =	vst v63  }
0x46: {  	p1 =	sne.s32 s10, $0x2800;
	s7 =	sshll.u32 s7, $0xA;
	_ =	swait.ge @p0 [sflag:s15], $0x2000  }
0x47: {  	s29 =	simm.s32 @p0 $0x7;
	s11 =	simm.s32 @p0 $0x2C00;
	[sflag:s15] =	ssyncset.done @p0 $0x0  }
0x48: {  	s13 =	sand.u32 $0x1FFFF800, s7;
	s14 =	smov.u32 s0;
	[sflag:s15] =	ssyncadd.s32 @p0 $0xFFFFE000  }
0x49: {  	[tilespmem:s11], [sflag:$0x2] =	stream.indirect.gather @p0 [hbm4b:s3+s16], $0x40, s26, s16, $0xb8;
	[tilespmem:$0x8C00] =	vst v63  }
0x4a: {  	_ =	swait.ge @p0 [sflag:s29], $0x2000  }
0x4b: {  	s7 =	simm.s32 @p0 $0x4C00;
	s11 =	simm.s32 @p0 $0x8;
	[sflag:s29] =	ssyncset.done @p0 $0x0  }
0x4c: {  	[sflag:s29] =	ssyncadd.s32 @p0 $0xFFFFE000  }
0x4d: {  	[tilespmem:s7], [sflag:$0x3] =	stream.indirect.gather @p0 [hbm4b:s3+s16], $0x40, s28, s16, $0xb8;
	[tilespmem:$0x8C00] =	vst v63  }
0x4e: {  	s7 =	simm.s32 @!p0 $0xC00;
	_ =	swait.ge @p0 [sflag:s11], $0x2000  }
0x4f: {  	s15 =	simm.s32 @!p0 $0x80;
	s16 =	simm.s32 @!p0 $0x0;
	[sflag:s11] =	ssyncset.done @p0 $0x0  }
0x50: {  	[sflag:s11] =	ssyncadd.s32 @p0 $0xFFFFE000  }
0x51: {  	[tilespmem:s7], [sflag:$0x1] =	stream.indirect.gather @!p0 [hbm4b:s3+s15], $0x40, s16, s15, $0xb8;
	[tilespmem:$0x8C00] =	vst v63  }
0x52: {  	s7 =	simm.s32 @!p0 $0x2C00  }
0x53: {  	[tilespmem:s7], [sflag:$0x2] =	stream.indirect.gather @!p0 [hbm4b:s3+s15], $0x40, s15, s15, $0xb8;
	[tilespmem:$0x8C00] =	vst v63  }
0x54: {  	s9 =	sshra.s32 s9, $0x2;
	s11 =	simm.s32 @!p0 $0x4C00;
	s7 =	simm.s32 @!p0 $0x100  }
0x55: {  	[tilespmem:s11], [sflag:$0x3] =	stream.indirect.gather @!p0 [hbm4b:s3+s15], $0x40, s7, s15, $0xb8;
	[tilespmem:$0x8C00] =	vst v63  }
0x56: {  	s7 =	sadd.s32 $0x180, s9;
	s9 =	smov.u32 s12  }
0x57: {  	[tilespmem:s18], [sflag:$0x4] =	stream.indirect.gather [hbm4b:s3+s17], $0x40, s7, s17, $0xb8;
	[tilespmem:$0x8C00] =	vst v63  }
0x58: {  	s7 =	sadd.s32 @p0 $0xFFFFFFFF, s31;
	_ =	swait.ge [sflag:s19], $0x2000  }
0x59: {  	s7 =	simm.s32 @!p0 $0x1;
	[sflag:s19] =	ssyncset.done $0x0  }
0x5a: {  	s7 =	sadd.s32 s6, s7;
	[sflag:s19] =	ssyncadd.s32 $0xFFFFE000  }
0x5b: {  	[hbm4b:s8+s2] =	stream.linear.scatter [tilespmem:s20], [sflag:$0x5], $0x2000, $0x38;
	[tilespmem:$0x8C00] =	vst v63  }
0x5c: {  	s7 =	sshll.u32 s7, $0xA;
	_ =	swait.ge [sflag:s21], $0x2000  }
0x5d: {  	s7 =	sand.u32 $0x1FFFF400, s7;
	[sflag:s21] =	ssyncset.done $0x0  }
0x5e: {  	s7 =	sadd.s32 s5, s7;
	[sflag:s21] =	ssyncadd.s32 $0xFFFFE000  }
0x5f: {  	[hbm4b:s7+s2] =	stream.linear.scatter [tilespmem:s22], [sflag:$0x6], $0x2000, $0x38;
	[tilespmem:$0x8C00] =	vst v63  }
.Ltmp0:
0x60: {  	_ =	swait.ge [sflag:s23], $0x2000;
	(pc) =	sbr.rel @p1 .LBB2_2-.Ltmp0, $4  }
0x61: {  	s7 =	sadd.s32 s5, s13;
	[sflag:s23] =	ssyncset.done $0x0  }
0x62: {  	s0 =	sadd.s32 $0x1000, s0;
	s8 =	sadd.s32 $0x1000, s8;
	[sflag:s23] =	ssyncadd.s32 $0xFFFFE000  }
0x63: {  	[hbm4b:s7+s2] =	stream.linear.scatter [tilespmem:s24], [sflag:$0x7], $0x2000, $0x38;
	[tilespmem:$0x8C00] =	vst v63  }
0x64: {  	s31 =	sadd.s32 $0x4, s31;
	p0 =	sne.s32 s9, $0x0;
	_ =	swait.ge [sflag:s25], $0x2000  }
0x65: {  	[sflag:s25] =	ssyncset.done $0x0  }
0x66: {  	s7 =	simm.s32 @p0 $0x5;
	[sflag:s25] =	ssyncadd.s32 $0xFFFFE000  }
0x67: {  	[hbm4b:s14+s2] =	stream.linear.scatter [tilespmem:s18], [sflag:$0x8], $0x2000, $0x38;
	[tilespmem:$0x8C00] =	vst v63  }
0x68: {  	_ =	swait.ge @p0 [sflag:s7], $0x2000  }
0x69: {  	s10 =	simm.s32 @p0 $0xC00;
	s11 =	simm.s32 @p0 $0x6;
	[sflag:s7] =	ssyncset.done @p0 $0x0  }
0x6a: {  	s12 =	sshra.s32 @p0 s9, $0x2;
	[sflag:s7] =	ssyncadd.s32 @p0 $0xFFFFE000;
	s7 =	simm.s32 @p0 $0x80  }
0x6b: {  	[tilespmem:s10], [sflag:$0x1] =	stream.indirect.gather @p0 [hbm4b:s3+s7], $0x40, s12, s7, $0xb8;
	[tilespmem:$0x8C00] =	vst v63  }
0x6c: {  	_ =	swait.ge @p0 [sflag:s11], $0x2000  }
0x6d: {  	[sflag:s11] =	ssyncset.done @p0 $0x0  }
0x6e: {  	s10 =	sadd.s32 @p0 $0x80, s12;
	[sflag:s11] =	ssyncadd.s32 @p0 $0xFFFFE000;
	s11 =	simm.s32 @p0 $0x2C00  }
0x6f: {  	[tilespmem:s11], [sflag:$0x2] =	stream.indirect.gather @p0 [hbm4b:s3+s7], $0x40, s10, s7, $0xb8;
	[tilespmem:$0x8C00] =	vst v63  }
0x70: {  	s10 =	simm.s32 @p0 $0x7  }
0x71: {  	_ =	swait.ge @p0 [sflag:s10], $0x2000  }
0x72: {  	[sflag:s10] =	ssyncset.done @p0 $0x0  }
0x73: {  	s11 =	sadd.s32 @p0 $0x100, s12;
	[sflag:s10] =	ssyncadd.s32 @p0 $0xFFFFE000;
	s10 =	simm.s32 @p0 $0x4C00  }
0x74: {  	[tilespmem:s10], [sflag:$0x3] =	stream.indirect.gather @p0 [hbm4b:s3+s7], $0x40, s11, s7, $0xb8;
	[tilespmem:$0x8C00] =	vst v63  }
0x75: {  	s7 =	simm.s32 @p0 $0x8  }
0x76: {  	_ =	swait.ge @p0 [sflag:s7], $0x2000  }
0x77: {  	s10 =	simm.s32 @!p0 $0xC00;
	[sflag:s7] =	ssyncset.done @p0 $0x0  }
0x78: {  	s11 =	simm.s32 @!p0 $0x80;
	[sflag:s7] =	ssyncadd.s32 @p0 $0xFFFFE000;
	s7 =	simm.s32 @!p0 $0x0  }
0x79: {  	[tilespmem:s10], [sflag:$0x1] =	stream.indirect.gather @!p0 [hbm4b:s3+s11], $0x40, s7, s11, $0xb8;
	[tilespmem:$0x8C00] =	vst v63  }
0x7a: {  	s7 =	simm.s32 @!p0 $0x2C00  }
0x7b: {  	[tilespmem:s7], [sflag:$0x2] =	stream.indirect.gather @!p0 [hbm4b:s3+s11], $0x40, s11, s11, $0xb8;
	[tilespmem:$0x8C00] =	vst v63  }
0x7c: {  	s29 =	sshra.s32 s9, $0x2;
	s10 =	simm.s32 @!p0 $0x4C00;
	s7 =	simm.s32 @!p0 $0x100  }
0x7d: {  	[tilespmem:s10], [sflag:$0x3] =	stream.indirect.gather @!p0 [hbm4b:s3+s11], $0x40, s7, s11, $0xb8;
	[tilespmem:$0x8C00] =	vst v63  }
0x7e: {  	s7 =	sadd.s32 $0x180, s29  }
0x7f: {  	[tilespmem:s18], [sflag:$0x4] =	stream.indirect.gather [hbm4b:s3+s17], $0x40, s7, s17, $0xb8;
	[tilespmem:$0x8C00] =	vst v63  }
0x80: {  	s7 =	sadd.s32 @p0 $0xFFFFFFFF, s31;
	_ =	swait.ge [sflag:s19], $0x2000  }
0x81: {  	s7 =	simm.s32 @!p0 $0x1;
	[sflag:s19] =	ssyncset.done $0x0  }
0x82: {  	s7 =	sadd.s32 s6, s7;
	[sflag:s19] =	ssyncadd.s32 $0xFFFFE000  }
0x83: {  	[hbm4b:s8+s2] =	stream.linear.scatter [tilespmem:s20], [sflag:$0x5], $0x2000, $0x38;
	[tilespmem:$0x8C00] =	vst v63  }
0x84: {  	s7 =	sshll.u32 s7, $0xA;
	_ =	swait.ge [sflag:s21], $0x2000  }
0x85: {  	s31 =	simm.s32 @!p0 $0x2;
	s7 =	sand.u32 $0x1FFFF400, s7;
	[sflag:s21] =	ssyncset.done $0x0  }
0x86: {  	s8 =	sadd.s32 s6, s31;
	s7 =	sadd.s32 s5, s7;
	[sflag:s21] =	ssyncadd.s32 $0xFFFFE000  }
0x87: {  	[hbm4b:s7+s2] =	stream.linear.scatter [tilespmem:s22], [sflag:$0x6], $0x2000, $0x38;
	[tilespmem:$0x8C00] =	vst v63  }
0x88: {  	s7 =	sshll.u32 s8, $0xA;
	_ =	swait.ge [sflag:s23], $0x2000  }
0x89: {  	s7 =	sand.u32 $0x1FFFF800, s7;
	[sflag:s23] =	ssyncset.done $0x0  }
0x8a: {  	s7 =	sadd.s32 s5, s7;
	[sflag:s23] =	ssyncadd.s32 $0xFFFFE000  }
0x8b: {  	[hbm4b:s7+s2] =	stream.linear.scatter [tilespmem:s24], [sflag:$0x7], $0x2000, $0x38;
	[tilespmem:$0x8C00] =	vst v63  }
0x8c: {  	_ =	swait.ge [sflag:s25], $0x2000  }
0x8d: {  	[sflag:s25] =	ssyncset.done $0x0  }
0x8e: {  	s9 =	simm.s32 $0x5;
	[sflag:s25] =	ssyncadd.s32 $0xFFFFE000  }
0x8f: {  	[hbm4b:s0+s2] =	stream.linear.scatter [tilespmem:s18], [sflag:$0x8], $0x2000, $0x38;
	[tilespmem:$0x8C00] =	vst v63  }
0x90: {  	_ =	swait.ge [sflag:s9], $0x2000  }
0x91: {  	[sflag:s9] =	ssyncset.done $0x0  }
0x92: {  	s10 =	simm.s32 $0x6;
	[sflag:s9] =	ssyncadd.s32 $0xFFFFE000  }
0x93: {  	_ =	swait.ge [sflag:s10], $0x2000  }
0x94: {  	[sflag:s10] =	ssyncset.done $0x0  }
0x95: {  	s31 =	simm.s32 $0x7;
	[sflag:s10] =	ssyncadd.s32 $0xFFFFE000  }
0x96: {  	_ =	swait.ge [sflag:s31], $0x2000  }
0x97: {  	[sflag:s31] =	ssyncset.done $0x0  }
0x98: {  	[sflag:s31] =	ssyncadd.s32 $0xFFFFE000  }
0x99: {  	_ =	swait.ge [sflag:s30], $0x2000  }
0x9a: {  	s12 =	simm.s32 $0xA00;
	[sflag:s30] =	ssyncset.done $0x0  }
0x9b: {  	s7 =	simm.s32 $0x9;
	s11 =	rddreg [dreg:$0x3];
	[sflag:s30] =	ssyncadd.s32 $0xFFFFE000  }
0x9c: {  	[tilespmem:s12], [sflag:$0x9] =	stream.linear.gather [hbm4b:s11+s2], $0x200, $0x38;
	[tilespmem:$0x8C00] =	vst v63  }
0x9d: {  	_ =	swait.ge [sflag:s7], $0x200  }
0x9e: {  	[sflag:s7] =	ssyncset.done $0x0  }
0x9f: {  	[sflag:s7] =	ssyncadd.s32 $0xFFFFFE00  }
0xa0: {  	[tilespmem:s20], [sflag:$0x1] =	stream.indirect.gather [hbm4b:s4+s17], $0x40, s12, s17, $0xb8;
	[tilespmem:$0x8C00] =	vst v63  }
0xa1: {  	s13 =	simm.s32 $0xA80  }
0xa2: {  	[tilespmem:s22], [sflag:$0x2] =	stream.indirect.gather [hbm4b:s4+s17], $0x40, s13, s17, $0xb8;
	[tilespmem:$0x8C00] =	vst v63  }
0xa3: {  	s14 =	simm.s32 $0xB00  }
0xa4: {  	[tilespmem:s24], [sflag:$0x3] =	stream.indirect.gather [hbm4b:s4+s17], $0x40, s14, s17, $0xb8;
	[tilespmem:$0x8C00] =	vst v63  }
0xa5: {  	s15 =	simm.s32 $0xB80  }
0xa6: {  	[tilespmem:s18], [sflag:$0x4] =	stream.indirect.gather [hbm4b:s4+s17], $0x40, s15, s17, $0xb8;
	[tilespmem:$0x8C00] =	vst v63  }
0xa7: {  	_ =	swait.ge [sflag:s19], $0x2000  }
0xa8: {  	[sflag:s19] =	ssyncset.done $0x0  }
0xa9: {  	s16 =	rddreg [dreg:$0x4];
	[sflag:s19] =	ssyncadd.s32 $0xFFFFE000  }
0xaa: {  	[hbm4b:s16+s2] =	stream.linear.scatter [tilespmem:s20], [sflag:$0x5], $0x2000, $0x38;
	[tilespmem:$0x8C00] =	vst v63  }
0xab: {  	_ =	swait.ge [sflag:s21], $0x2000  }
0xac: {  	[sflag:s21] =	ssyncset.done $0x0  }
0xad: {  	s26 =	rddreg [dreg:$0x5];
	[sflag:s21] =	ssyncadd.s32 $0xFFFFE000  }
0xae: {  	[hbm4b:s26+s2] =	stream.linear.scatter [tilespmem:s22], [sflag:$0x6], $0x2000, $0x38;
	[tilespmem:$0x8C00] =	vst v63  }
0xaf: {  	_ =	swait.ge [sflag:s23], $0x2000  }
0xb0: {  	[sflag:s23] =	ssyncset.done $0x0  }
0xb1: {  	s28 =	rddreg [dreg:$0x6];
	[sflag:s23] =	ssyncadd.s32 $0xFFFFE000  }
0xb2: {  	[hbm4b:s28+s2] =	stream.linear.scatter [tilespmem:s24], [sflag:$0x7], $0x2000, $0x38;
	[tilespmem:$0x8C00] =	vst v63  }
0xb3: {  	_ =	swait.ge [sflag:s25], $0x2000  }
0xb4: {  	[sflag:s25] =	ssyncset.done $0x0  }
0xb5: {  	s29 =	rddreg [dreg:$0x7];
	[sflag:s25] =	ssyncadd.s32 $0xFFFFE000  }
0xb6: {  	[hbm4b:s29+s2] =	stream.linear.scatter [tilespmem:s18], [sflag:$0x8], $0x2000, $0x38;
	[tilespmem:$0x8C00] =	vst v63  }
0xb7: {  	_ =	swait.ge [sflag:s9], $0x2000  }
0xb8: {  	[sflag:s9] =	ssyncset.done $0x0  }
0xb9: {  	[sflag:s9] =	ssyncadd.s32 $0xFFFFE000  }
0xba: {  	_ =	swait.ge [sflag:s10], $0x2000  }
0xbb: {  	[sflag:s10] =	ssyncset.done $0x0  }
0xbc: {  	[sflag:s10] =	ssyncadd.s32 $0xFFFFE000  }
0xbd: {  	_ =	swait.ge [sflag:s31], $0x2000  }
0xbe: {  	[sflag:s31] =	ssyncset.done $0x0  }
0xbf: {  	[sflag:s31] =	ssyncadd.s32 $0xFFFFE000  }
0xc0: {  	_ =	swait.ge [sflag:s30], $0x2000  }
0xc1: {  	s1 =	sadd.s32 $0x1, s1;
	s31 =	rddreg [dreg:$0x8]  }
0xc2: {  	p0 =	sne.s32 s1, s31  }
.Ltmp1:
0xc3: {  	_ = 	snop;
	(pc) =	sbr.rel @p0 .LBB2_1-.Ltmp1, $3  }
0xc4: {  	_ =	sdelay $0x1  }
0xc5: {  	[sflag:s30] =	ssyncset.done $0x0  }
0xc6: {  	[sflag:s30] =	ssyncadd.s32 $0xFFFFE000  }
0xc7: {  	_ =	sfence.sel $0x180000  }
0xc8: {  	[bflag:$0x0] =	sbarrier.arrive $0xFFFF  }
0xc9: {  	_ =	strace $0x90000047  }
0xca: {  	s0 =	stileid.u32;
	[bflag:$0x2] =	sbarrier.arrive $0xFFFF  }
0xcb: {  	p0 =	sne.s32 s0, $0x0;
	s0 =	rddreg [dreg:$0x1]  }
0xcc: {  	s0 =	sadd.s32 @!p0 $0x100000, s0  }
0xcd: {  	[sflag:s0] =	ssyncadd.tile.s32 @!p0 $0x1;
	_ =	shalt  }
.Lfunc_end2:
_tile_overlayer_lowered:
.L_overlay_start_2:
0xce: {  	(tag) =	ssettag $0x2  }
0xcf: {  	s0 =	rddreg [dreg:$0x0];
	s2 =	stileid.u32  }
0xd0: {  	s1 =	rddreg [dreg:$0x1];
	p0 =	sne.s32 s2, $0x0  }
0xd1: {  	s3 =	rddreg [dreg:$0x2];
	[bflag:$0x3] =	sbarrier.arrive $0xFFFF;
	s2 =	simm.s32 @!p0 $0x1C09  }
0xd2: {  	[timem:s3], [sflag:s2] =	dma.local @!p0 [hbm:s0], s1  }
0xd3: {  	s0 =	simm.s32 @!p0 $0x9  }
0xd4: {  	_ =	swait.ge @!p0 [sflag:s0], s1  }
0xd5: {  	s1 =	ssub.s32 @!p0 $0x0, s1;
	[sflag:s0] =	ssyncset.done @!p0 $0x0  }
0xd6: {  	[sflag:s0] =	ssyncadd.s32 @!p0 s1  }
0xd7: {  	[bflag:$0x3] =	sbarrier.arrive $0xFFFF  }
0xd8: {  	_ =	shalt  }

</sc_bundles>
